<compile_context>
chip_gen: v7x
topology: tpu7x:2x2x1
jax: 0.10.2.dev20260603
libtpu: 0.0.44.dev20260713+nightly
codegen_flags: <defaults>
</compile_context>

<pallas_src>
import functools

import jax
import jax.numpy as jnp
from jax import lax
from jax.experimental import pallas as pl
from jax.experimental.pallas import tpu as pltpu
from jax.experimental.pallas import tpu_sc as plsc

WIDTH_FULL = 17
WIDTH_PLAYABLE = 15
HEIGHT = 11
TYPE_EMB_DIM = 8
K = 16384
OUT_D = 14
LANES = 16
NC, NS = 2, 16
NW = NC * NS
IPW = K // NW
GROUPS = IPW // LANES
N_EMB_WORDS = 4 * TYPE_EMB_DIM


def _sc_body(emb_hbm, tid_hbm, h1_hbm, h2_hbm, out_hbm,
             emb_v, tid_v, h1_v, h2_v, col_v, sem_in):
    wid = lax.axis_index("s") * NC + lax.axis_index("c")
    base = wid * IPW

    cps = [
        pltpu.async_copy(emb_hbm, emb_v, sem_in),
        pltpu.async_copy(tid_hbm.at[pl.ds(base, IPW)], tid_v, sem_in),
        pltpu.async_copy(h1_hbm.at[pl.ds(base, IPW)], h1_v, sem_in),
        pltpu.async_copy(h2_hbm.at[pl.ds(base, IPW)], h2_v, sem_in),
    ]
    for cp in cps:
        cp.wait()

    @plsc.parallel_loop(0, GROUPS)
    def group(g):
        off = g * LANES
        tid = tid_v[pl.ds(off, LANES)]
        h1 = h1_v[pl.ds(off, LANES)]
        h2 = h2_v[pl.ds(off, LANES)]

        tid8 = tid * TYPE_EMB_DIM
        for j in range(TYPE_EMB_DIM):
            col_v[j, pl.ds(off, LANES)] = plsc.load_gather(emb_v, [tid8 + j])

        for h, jb in ((h1, TYPE_EMB_DIM), (h2, TYPE_EMB_DIM + 3)):
            y = lax.div(h, WIDTH_FULL)
            x = h - y * WIDTH_FULL
            valid = h >= 0
            xf = jnp.minimum(x, WIDTH_PLAYABLE - 1).astype(jnp.float32)
            yf = jnp.minimum(y, HEIGHT - 1).astype(jnp.float32)
            col_v[jb, pl.ds(off, LANES)] = jnp.where(
                valid, xf * (1.0 / (WIDTH_PLAYABLE - 1)), 0.0)
            col_v[jb + 1, pl.ds(off, LANES)] = jnp.where(
                valid, yf * (1.0 / (HEIGHT - 1)), 0.0)
            col_v[jb + 2, pl.ds(off, LANES)] = jnp.where(valid, 1.0, 0.0)

    pltpu.sync_copy(col_v, out_hbm.at[:, pl.ds(base, IPW)])


@functools.cache
def _build():
    mesh = plsc.VectorSubcoreMesh(
        core_axis_name="c", subcore_axis_name="s",
        num_cores=NC, num_subcores=NS)
    return pl.kernel(
        _sc_body,
        out_type=jax.ShapeDtypeStruct((OUT_D, K), jnp.float32),
        mesh=mesh,
        compiler_params=pltpu.CompilerParams(
            needs_layout_passes=False, use_tc_tiling_on_sc=True),
        scratch_types=[
            pltpu.VMEM((N_EMB_WORDS,), jnp.float32),
            pltpu.VMEM((IPW,), jnp.int32),
            pltpu.VMEM((IPW,), jnp.int32),
            pltpu.VMEM((IPW,), jnp.int32),
            pltpu.VMEM((OUT_D, IPW), jnp.float32),
            pltpu.SemaphoreType.DMA,
        ],
    )


def kernel(type_emb, type_ids, hex1, hex2):
    emb = type_emb.reshape(-1).astype(jnp.float32)
    tid = type_ids.astype(jnp.int32)
    h1 = hex1.astype(jnp.int32)
    h2 = hex2.astype(jnp.int32)
    return _build()(emb, tid, h1, h2).T

# --- scband reference (transcript-rebuilt; emitter-appended) ---
"""Pipeline reference for scband-action-encoder-66924180407047 (READ-ONLY COPY).

The authoritative reference and input builder live on the scoring server;
editing this copy changes nothing except your own understanding.
"""

import jax, jax.numpy as jnp
import numpy as np

WIDTH_FULL = 17
WIDTH_PLAYABLE = 15
HEIGHT = 11
N_ACTION_TYPES = 4
TYPE_EMB_DIM = 8
K = 16384


def encode_hex(hex_idx):
    # hex_to_coords
    x = hex_idx % WIDTH_FULL
    y = hex_idx // WIDTH_FULL
    # clamp to playable area
    x = jnp.clip(x, 0, WIDTH_PLAYABLE - 1)
    y = jnp.clip(y, 0, HEIGHT - 1)
    feat = jnp.stack([
        x.astype(jnp.float32) / (WIDTH_PLAYABLE - 1),
        y.astype(jnp.float32) / (HEIGHT - 1),
        jnp.ones(hex_idx.shape, dtype=jnp.float32),
    ], axis=-1)
    valid = (hex_idx >= 0)
    return jnp.where(valid[..., None], feat, jnp.zeros_like(feat))


def setup_inputs(seed: int = 0) -> dict:
    key = jax.random.key(seed)
    k1, k2, k3, k4 = jax.random.split(key, 4)
    type_ids = jax.random.randint(k1, (K,), 0, N_ACTION_TYPES, dtype=jnp.int64 if jax.config.jax_enable_x64 else jnp.int32)
    hex1 = jax.random.randint(k2, (K,), 0, WIDTH_FULL * HEIGHT, dtype=type_ids.dtype)
    hex2 = jax.random.randint(k3, (K,), 0, WIDTH_FULL * HEIGHT, dtype=type_ids.dtype)
    type_emb = jax.random.normal(k4, (N_ACTION_TYPES, TYPE_EMB_DIM), dtype=jnp.float32)
    return {"type_emb": type_emb, "type_ids": type_ids, "hex1": hex1, "hex2": hex2}


def reference(type_emb, type_ids, hex1, hex2):
    # type embedding lookup (gather)
    e_t = jnp.take(type_emb, type_ids, axis=0)          # [K, 8]
    f1 = encode_hex(hex1)                               # [K, 3]
    f2 = encode_hex(hex2)                               # [K, 3]
    return jnp.concatenate([e_t, f1, f2], axis=-1)      # [K, 14]

if __name__ == "__main__":
    import jax
    _d = setup_inputs()
    print(jax.jit(kernel)(*tuple(_d.values())))

</pallas_src>

<mosaic_0001>
#map = affine_map<(d0, d1) -> (0)>
#map1 = affine_map<(d0, d1) -> (0, 0)>
module attributes {stable_mosaic.version = 14 : i64} {
  func.func @_sc_body(%arg0: i32, %arg1: i32, %arg2: memref<32xf32, #tpu.memory_space<hbm>>, %arg3: memref<16384xi32, #tpu.memory_space<hbm>>, %arg4: memref<16384xi32, #tpu.memory_space<hbm>>, %arg5: memref<16384xi32, #tpu.memory_space<hbm>>, %arg6: memref<14x16384xf32, #tpu.memory_space<hbm>>, %arg7: memref<32xf32, #tpu.memory_space<vmem>>, %arg8: memref<512xi32, #tpu.memory_space<vmem>>, %arg9: memref<512xi32, #tpu.memory_space<vmem>>, %arg10: memref<512xi32, #tpu.memory_space<vmem>>, %arg11: memref<14x512xf32, #tpu.memory_space<vmem>>, %arg12: memref<!tpu.dma_semaphore, #tpu.memory_space<semaphore_mem>>) attributes {dimension_semantics = [#tpu.dimension_semantics<core_parallel>, #tpu.dimension_semantics<subcore_parallel>], iteration_bounds = array<i64: 2, 16>, scalar_prefetch = 0 : i64, scratch_operands = 6 : i64, tpu.core_type = #tpu.core_type<sc_vector_subcore>, window_params = [{transform_indices = #map}, {transform_indices = #map}, {transform_indices = #map}, {transform_indices = #map}, {transform_indices = #map1}]} {
    %mul3A = arith.constant 2 : i32
    %mul3A_0 = arith.muli %arg1, %mul3A : i32
    %add3A = arith.addi %mul3A_0, %arg0 : i32
    %mul3A_1 = arith.constant 512 : i32
    %mul3A_2 = arith.muli %add3A, %mul3A_1 : i32
    tpu.enqueue_dma source(%arg2 : memref<32xf32, #tpu.memory_space<hbm>>) target(%arg7 : memref<32xf32, #tpu.memory_space<vmem>>) target_semaphore(%arg12 : memref<!tpu.dma_semaphore, #tpu.memory_space<semaphore_mem>>)
    %dma_start3A = tpu.memref_slice %arg3[%mul3A_2] : memref<16384xi32, #tpu.memory_space<hbm>> -> memref<512xi32, #tpu.memory_space<hbm>>
    %dma_start3A_3 = tpu.memref_slice %arg3[%mul3A_2] : memref<16384xi32, #tpu.memory_space<hbm>> -> memref<512xi32, #tpu.memory_space<hbm>>
    tpu.enqueue_dma source(%dma_start3A_3 : memref<512xi32, #tpu.memory_space<hbm>>) target(%arg8 : memref<512xi32, #tpu.memory_space<vmem>>) target_semaphore(%arg12 : memref<!tpu.dma_semaphore, #tpu.memory_space<semaphore_mem>>)
    %dma_start3A_4 = tpu.memref_slice %arg4[%mul3A_2] : memref<16384xi32, #tpu.memory_space<hbm>> -> memref<512xi32, #tpu.memory_space<hbm>>
    %dma_start3A_5 = tpu.memref_slice %arg4[%mul3A_2] : memref<16384xi32, #tpu.memory_space<hbm>> -> memref<512xi32, #tpu.memory_space<hbm>>
    tpu.enqueue_dma source(%dma_start3A_5 : memref<512xi32, #tpu.memory_space<hbm>>) target(%arg9 : memref<512xi32, #tpu.memory_space<vmem>>) target_semaphore(%arg12 : memref<!tpu.dma_semaphore, #tpu.memory_space<semaphore_mem>>)
    %dma_start3A_6 = tpu.memref_slice %arg5[%mul3A_2] : memref<16384xi32, #tpu.memory_space<hbm>> -> memref<512xi32, #tpu.memory_space<hbm>>
    %dma_start3A_7 = tpu.memref_slice %arg5[%mul3A_2] : memref<16384xi32, #tpu.memory_space<hbm>> -> memref<512xi32, #tpu.memory_space<hbm>>
    tpu.enqueue_dma source(%dma_start3A_7 : memref<512xi32, #tpu.memory_space<hbm>>) target(%arg10 : memref<512xi32, #tpu.memory_space<vmem>>) target_semaphore(%arg12 : memref<!tpu.dma_semaphore, #tpu.memory_space<semaphore_mem>>)
    tpu.wait_dma2 semaphore(%arg12 : memref<!tpu.dma_semaphore, #tpu.memory_space<semaphore_mem>>) src(%arg2 : memref<32xf32, #tpu.memory_space<hbm>>) dst(%arg7 : memref<32xf32, #tpu.memory_space<vmem>>)
    %dma_wait3A = tpu.memref_slice %arg3[%mul3A_2] : memref<16384xi32, #tpu.memory_space<hbm>> -> memref<512xi32, #tpu.memory_space<hbm>>
    %dma_wait3A_8 = tpu.memref_slice %arg3[%mul3A_2] : memref<16384xi32, #tpu.memory_space<hbm>> -> memref<512xi32, #tpu.memory_space<hbm>>
    tpu.wait_dma2 semaphore(%arg12 : memref<!tpu.dma_semaphore, #tpu.memory_space<semaphore_mem>>) src(%dma_wait3A_8 : memref<512xi32, #tpu.memory_space<hbm>>) dst(%arg8 : memref<512xi32, #tpu.memory_space<vmem>>)
    %dma_wait3A_9 = tpu.memref_slice %arg4[%mul3A_2] : memref<16384xi32, #tpu.memory_space<hbm>> -> memref<512xi32, #tpu.memory_space<hbm>>
    %dma_wait3A_10 = tpu.memref_slice %arg4[%mul3A_2] : memref<16384xi32, #tpu.memory_space<hbm>> -> memref<512xi32, #tpu.memory_space<hbm>>
    tpu.wait_dma2 semaphore(%arg12 : memref<!tpu.dma_semaphore, #tpu.memory_space<semaphore_mem>>) src(%dma_wait3A_10 : memref<512xi32, #tpu.memory_space<hbm>>) dst(%arg9 : memref<512xi32, #tpu.memory_space<vmem>>)
    %dma_wait3A_11 = tpu.memref_slice %arg5[%mul3A_2] : memref<16384xi32, #tpu.memory_space<hbm>> -> memref<512xi32, #tpu.memory_space<hbm>>
    %dma_wait3A_12 = tpu.memref_slice %arg5[%mul3A_2] : memref<16384xi32, #tpu.memory_space<hbm>> -> memref<512xi32, #tpu.memory_space<hbm>>
    tpu.wait_dma2 semaphore(%arg12 : memref<!tpu.dma_semaphore, #tpu.memory_space<semaphore_mem>>) src(%dma_wait3A_12 : memref<512xi32, #tpu.memory_space<hbm>>) dst(%arg10 : memref<512xi32, #tpu.memory_space<vmem>>)
    %parallel_loop3A = arith.constant 0 : i32
    %parallel_loop3A_13 = arith.constant 32 : i32
    %parallel_loop3A_14 = arith.constant 1 : i32
    scf.for %parallel_loop3A_15 = %parallel_loop3A to %parallel_loop3A_13 step %parallel_loop3A_14  : i32 {
      %parallel_loop3A_16 = arith.constant 16 : i32
      %parallel_loop3A_17 = arith.muli %parallel_loop3A_15, %parallel_loop3A_16 : i32
      %parallel_loop3A_18 = arith.index_cast %parallel_loop3A_17 : i32 to index
      %parallel_loop3A_19 = tpu.vector_load %arg8[%parallel_loop3A_18] {strides = array<i32>} : memref<512xi32, #tpu.memory_space<vmem>>, vector<16xi32>,
      %parallel_loop3A_20 = arith.index_cast %parallel_loop3A_17 : i32 to index
      %parallel_loop3A_21 = tpu.vector_load %arg9[%parallel_loop3A_20] {strides = array<i32>} : memref<512xi32, #tpu.memory_space<vmem>>, vector<16xi32>,
      %parallel_loop3A_22 = arith.index_cast %parallel_loop3A_17 : i32 to index
      %parallel_loop3A_23 = tpu.vector_load %arg10[%parallel_loop3A_22] {strides = array<i32>} : memref<512xi32, #tpu.memory_space<vmem>>, vector<16xi32>,
      %parallel_loop3A_24 = arith.constant 8 : i32
      %parallel_loop3A_25 = vector.broadcast %parallel_loop3A_24 : i32 to vector<16xi32>
      %parallel_loop3A_26 = arith.muli %parallel_loop3A_19, %parallel_loop3A_25 : vector<16xi32>
      %parallel_loop3A_27 = arith.constant 0 : i32
      %parallel_loop3A_28 = vector.broadcast %parallel_loop3A_27 : i32 to vector<16xi32>
      %parallel_loop3A_29 = arith.addi %parallel_loop3A_26, %parallel_loop3A_28 : vector<16xi32>
      %parallel_loop3A_30 = tpu.vector_load_idx %arg7[%parallel_loop3A_29] : memref<32xf32, #tpu.memory_space<vmem>>[vector<16xi32>], vector<16xf32>,
      %parallel_loop3A_31 = arith.constant 0 : i32
      %parallel_loop3A_32 = arith.index_cast %parallel_loop3A_31 : i32 to index
      %parallel_loop3A_33 = arith.index_cast %parallel_loop3A_17 : i32 to index
      %parallel_loop3A_34 = tpu.vector_load %arg11[%parallel_loop3A_32, %parallel_loop3A_33] {strides = array<i32>} : memref<14x512xf32, #tpu.memory_space<vmem>>, vector<16xf32>,
      tpu.vector_store %arg11[%parallel_loop3A_32, %parallel_loop3A_33], %parallel_loop3A_30 {strides = array<i32>} : memref<14x512xf32, #tpu.memory_space<vmem>>, vector<16xf32>,
      %parallel_loop3A_35 = arith.constant 1 : i32
      %parallel_loop3A_36 = vector.broadcast %parallel_loop3A_35 : i32 to vector<16xi32>
      %parallel_loop3A_37 = arith.addi %parallel_loop3A_26, %parallel_loop3A_36 : vector<16xi32>
      %parallel_loop3A_38 = tpu.vector_load_idx %arg7[%parallel_loop3A_37] : memref<32xf32, #tpu.memory_space<vmem>>[vector<16xi32>], vector<16xf32>,
      %parallel_loop3A_39 = arith.constant 1 : i32
      %parallel_loop3A_40 = arith.index_cast %parallel_loop3A_39 : i32 to index
      %parallel_loop3A_41 = arith.index_cast %parallel_loop3A_17 : i32 to index
      %parallel_loop3A_42 = tpu.vector_load %arg11[%parallel_loop3A_40, %parallel_loop3A_41] {strides = array<i32>} : memref<14x512xf32, #tpu.memory_space<vmem>>, vector<16xf32>,
      tpu.vector_store %arg11[%parallel_loop3A_40, %parallel_loop3A_41], %parallel_loop3A_38 {strides = array<i32>} : memref<14x512xf32, #tpu.memory_space<vmem>>, vector<16xf32>,
      %parallel_loop3A_43 = arith.constant 2 : i32
      %parallel_loop3A_44 = vector.broadcast %parallel_loop3A_43 : i32 to vector<16xi32>
      %parallel_loop3A_45 = arith.addi %parallel_loop3A_26, %parallel_loop3A_44 : vector<16xi32>
      %parallel_loop3A_46 = tpu.vector_load_idx %arg7[%parallel_loop3A_45] : memref<32xf32, #tpu.memory_space<vmem>>[vector<16xi32>], vector<16xf32>,
      %parallel_loop3A_47 = arith.constant 2 : i32
      %parallel_loop3A_48 = arith.index_cast %parallel_loop3A_47 : i32 to index
      %parallel_loop3A_49 = arith.index_cast %parallel_loop3A_17 : i32 to index
      %parallel_loop3A_50 = tpu.vector_load %arg11[%parallel_loop3A_48, %parallel_loop3A_49] {strides = array<i32>} : memref<14x512xf32, #tpu.memory_space<vmem>>, vector<16xf32>,
      tpu.vector_store %arg11[%parallel_loop3A_48, %parallel_loop3A_49], %parallel_loop3A_46 {strides = array<i32>} : memref<14x512xf32, #tpu.memory_space<vmem>>, vector<16xf32>,
      %parallel_loop3A_51 = arith.constant 3 : i32
      %parallel_loop3A_52 = vector.broadcast %parallel_loop3A_51 : i32 to vector<16xi32>
      %parallel_loop3A_53 = arith.addi %parallel_loop3A_26, %parallel_loop3A_52 : vector<16xi32>
      %parallel_loop3A_54 = tpu.vector_load_idx %arg7[%parallel_loop3A_53] : memref<32xf32, #tpu.memory_space<vmem>>[vector<16xi32>], vector<16xf32>,
      %parallel_loop3A_55 = arith.constant 3 : i32
      %parallel_loop3A_56 = arith.index_cast %parallel_loop3A_55 : i32 to index
      %parallel_loop3A_57 = arith.index_cast %parallel_loop3A_17 : i32 to index
      %parallel_loop3A_58 = tpu.vector_load %arg11[%parallel_loop3A_56, %parallel_loop3A_57] {strides = array<i32>} : memref<14x512xf32, #tpu.memory_space<vmem>>, vector<16xf32>,
      tpu.vector_store %arg11[%parallel_loop3A_56, %parallel_loop3A_57], %parallel_loop3A_54 {strides = array<i32>} : memref<14x512xf32, #tpu.memory_space<vmem>>, vector<16xf32>,
      %parallel_loop3A_59 = arith.constant 4 : i32
      %parallel_loop3A_60 = vector.broadcast %parallel_loop3A_59 : i32 to vector<16xi32>
      %parallel_loop3A_61 = arith.addi %parallel_loop3A_26, %parallel_loop3A_60 : vector<16xi32>
      %parallel_loop3A_62 = tpu.vector_load_idx %arg7[%parallel_loop3A_61] : memref<32xf32, #tpu.memory_space<vmem>>[vector<16xi32>], vector<16xf32>,
      %parallel_loop3A_63 = arith.constant 4 : i32
      %parallel_loop3A_64 = arith.index_cast %parallel_loop3A_63 : i32 to index
      %parallel_loop3A_65 = arith.index_cast %parallel_loop3A_17 : i32 to index
      %parallel_loop3A_66 = tpu.vector_load %arg11[%parallel_loop3A_64, %parallel_loop3A_65] {strides = array<i32>} : memref<14x512xf32, #tpu.memory_space<vmem>>, vector<16xf32>,
      tpu.vector_store %arg11[%parallel_loop3A_64, %parallel_loop3A_65], %parallel_loop3A_62 {strides = array<i32>} : memref<14x512xf32, #tpu.memory_space<vmem>>, vector<16xf32>,
      %parallel_loop3A_67 = arith.constant 5 : i32
      %parallel_loop3A_68 = vector.broadcast %parallel_loop3A_67 : i32 to vector<16xi32>
      %parallel_loop3A_69 = arith.addi %parallel_loop3A_26, %parallel_loop3A_68 : vector<16xi32>
      %parallel_loop3A_70 = tpu.vector_load_idx %arg7[%parallel_loop3A_69] : memref<32xf32, #tpu.memory_space<vmem>>[vector<16xi32>], vector<16xf32>,
      %parallel_loop3A_71 = arith.constant 5 : i32
      %parallel_loop3A_72 = arith.index_cast %parallel_loop3A_71 : i32 to index
      %parallel_loop3A_73 = arith.index_cast %parallel_loop3A_17 : i32 to index
      %parallel_loop3A_74 = tpu.vector_load %arg11[%parallel_loop3A_72, %parallel_loop3A_73] {strides = array<i32>} : memref<14x512xf32, #tpu.memory_space<vmem>>, vector<16xf32>,
      tpu.vector_store %arg11[%parallel_loop3A_72, %parallel_loop3A_73], %parallel_loop3A_70 {strides = array<i32>} : memref<14x512xf32, #tpu.memory_space<vmem>>, vector<16xf32>,
      %parallel_loop3A_75 = arith.constant 6 : i32
      %parallel_loop3A_76 = vector.broadcast %parallel_loop3A_75 : i32 to vector<16xi32>
      %parallel_loop3A_77 = arith.addi %parallel_loop3A_26, %parallel_loop3A_76 : vector<16xi32>
      %parallel_loop3A_78 = tpu.vector_load_idx %arg7[%parallel_loop3A_77] : memref<32xf32, #tpu.memory_space<vmem>>[vector<16xi32>], vector<16xf32>,
      %parallel_loop3A_79 = arith.constant 6 : i32
      %parallel_loop3A_80 = arith.index_cast %parallel_loop3A_79 : i32 to index
      %parallel_loop3A_81 = arith.index_cast %parallel_loop3A_17 : i32 to index
      %parallel_loop3A_82 = tpu.vector_load %arg11[%parallel_loop3A_80, %parallel_loop3A_81] {strides = array<i32>} : memref<14x512xf32, #tpu.memory_space<vmem>>, vector<16xf32>,
      tpu.vector_store %arg11[%parallel_loop3A_80, %parallel_loop3A_81], %parallel_loop3A_78 {strides = array<i32>} : memref<14x512xf32, #tpu.memory_space<vmem>>, vector<16xf32>,
      %parallel_loop3A_83 = arith.constant 7 : i32
      %parallel_loop3A_84 = vector.broadcast %parallel_loop3A_83 : i32 to vector<16xi32>
      %parallel_loop3A_85 = arith.addi %parallel_loop3A_26, %parallel_loop3A_84 : vector<16xi32>
      %parallel_loop3A_86 = tpu.vector_load_idx %arg7[%parallel_loop3A_85] : memref<32xf32, #tpu.memory_space<vmem>>[vector<16xi32>], vector<16xf32>,
      %parallel_loop3A_87 = arith.constant 7 : i32
      %parallel_loop3A_88 = arith.index_cast %parallel_loop3A_87 : i32 to index
      %parallel_loop3A_89 = arith.index_cast %parallel_loop3A_17 : i32 to index
      %parallel_loop3A_90 = tpu.vector_load %arg11[%parallel_loop3A_88, %parallel_loop3A_89] {strides = array<i32>} : memref<14x512xf32, #tpu.memory_space<vmem>>, vector<16xf32>,
      tpu.vector_store %arg11[%parallel_loop3A_88, %parallel_loop3A_89], %parallel_loop3A_86 {strides = array<i32>} : memref<14x512xf32, #tpu.memory_space<vmem>>, vector<16xf32>,
      %parallel_loop3A_91 = arith.constant 17 : i32
      %parallel_loop3A_92 = vector.broadcast %parallel_loop3A_91 : i32 to vector<16xi32>
      %parallel_loop3A_93 = arith.divsi %parallel_loop3A_21, %parallel_loop3A_92 : vector<16xi32>
      %parallel_loop3A_94 = arith.constant 17 : i32
      %parallel_loop3A_95 = vector.broadcast %parallel_loop3A_94 : i32 to vector<16xi32>
      %parallel_loop3A_96 = arith.muli %parallel_loop3A_93, %parallel_loop3A_95 : vector<16xi32>
      %parallel_loop3A_97 = arith.subi %parallel_loop3A_21, %parallel_loop3A_96 : vector<16xi32>
      %parallel_loop3A_98 = arith.constant 0 : i32
      %parallel_loop3A_99 = vector.broadcast %parallel_loop3A_98 : i32 to vector<16xi32>
      %parallel_loop3A_100 = arith.cmpi sge, %parallel_loop3A_21, %parallel_loop3A_99 : vector<16xi32>
      %parallel_loop3A_101 = arith.constant 14 : i32
      %parallel_loop3A_102 = vector.broadcast %parallel_loop3A_101 : i32 to vector<16xi32>
      %parallel_loop3A_103 = arith.minsi %parallel_loop3A_97, %parallel_loop3A_102 : vector<16xi32>
      %parallel_loop3A_104 = arith.sitofp %parallel_loop3A_103 : vector<16xi32> to vector<16xf32>
      %parallel_loop3A_105 = arith.constant 10 : i32
      %parallel_loop3A_106 = vector.broadcast %parallel_loop3A_105 : i32 to vector<16xi32>
      %parallel_loop3A_107 = arith.minsi %parallel_loop3A_93, %parallel_loop3A_106 : vector<16xi32>
      %parallel_loop3A_108 = arith.sitofp %parallel_loop3A_107 : vector<16xi32> to vector<16xf32>
      %parallel_loop3A_109 = arith.constant 0.0714285746 : f32
      %parallel_loop3A_110 = vector.broadcast %parallel_loop3A_109 : f32 to vector<16xf32>
      %parallel_loop3A_111 = arith.mulf %parallel_loop3A_104, %parallel_loop3A_110 : vector<16xf32>
      %parallel_loop3A_112 = arith.constant 0.000000e+00 : f32
      %parallel_loop3A_113 = vector.broadcast %parallel_loop3A_112 : f32 to vector<16xf32>
      %parallel_loop3A_114 = arith.select %parallel_loop3A_100, %parallel_loop3A_111, %parallel_loop3A_113 : vector<16xi1>, vector<16xf32>
      %parallel_loop3A_115 = arith.constant 8 : i32
      %parallel_loop3A_116 = arith.index_cast %parallel_loop3A_115 : i32 to index
      %parallel_loop3A_117 = arith.index_cast %parallel_loop3A_17 : i32 to index
      %parallel_loop3A_118 = tpu.vector_load %arg11[%parallel_loop3A_116, %parallel_loop3A_117] {strides = array<i32>} : memref<14x512xf32, #tpu.memory_space<vmem>>, vector<16xf32>,
      tpu.vector_store %arg11[%parallel_loop3A_116, %parallel_loop3A_117], %parallel_loop3A_114 {strides = array<i32>} : memref<14x512xf32, #tpu.memory_space<vmem>>, vector<16xf32>,
      %parallel_loop3A_119 = arith.constant 1.000000e-01 : f32
      %parallel_loop3A_120 = vector.broadcast %parallel_loop3A_119 : f32 to vector<16xf32>
      %parallel_loop3A_121 = arith.mulf %parallel_loop3A_108, %parallel_loop3A_120 : vector<16xf32>
      %parallel_loop3A_122 = arith.constant 0.000000e+00 : f32
      %parallel_loop3A_123 = vector.broadcast %parallel_loop3A_122 : f32 to vector<16xf32>
      %parallel_loop3A_124 = arith.select %parallel_loop3A_100, %parallel_loop3A_121, %parallel_loop3A_123 : vector<16xi1>, vector<16xf32>
      %parallel_loop3A_125 = arith.constant 9 : i32
      %parallel_loop3A_126 = arith.index_cast %parallel_loop3A_125 : i32 to index
      %parallel_loop3A_127 = arith.index_cast %parallel_loop3A_17 : i32 to index
      %parallel_loop3A_128 = tpu.vector_load %arg11[%parallel_loop3A_126, %parallel_loop3A_127] {strides = array<i32>} : memref<14x512xf32, #tpu.memory_space<vmem>>, vector<16xf32>,
      tpu.vector_store %arg11[%parallel_loop3A_126, %parallel_loop3A_127], %parallel_loop3A_124 {strides = array<i32>} : memref<14x512xf32, #tpu.memory_space<vmem>>, vector<16xf32>,
      %parallel_loop3A_129 = arith.constant 1.000000e+00 : f32
      %parallel_loop3A_130 = arith.constant 0.000000e+00 : f32
      %parallel_loop3A_131 = vector.broadcast %parallel_loop3A_129 : f32 to vector<16xf32>
      %parallel_loop3A_132 = vector.broadcast %parallel_loop3A_130 : f32 to vector<16xf32>
      %parallel_loop3A_133 = arith.select %parallel_loop3A_100, %parallel_loop3A_131, %parallel_loop3A_132 : vector<16xi1>, vector<16xf32>
      %parallel_loop3A_134 = arith.constant 10 : i32
      %parallel_loop3A_135 = arith.index_cast %parallel_loop3A_134 : i32 to index
      %parallel_loop3A_136 = arith.index_cast %parallel_loop3A_17 : i32 to index
      %parallel_loop3A_137 = tpu.vector_load %arg11[%parallel_loop3A_135, %parallel_loop3A_136] {strides = array<i32>} : memref<14x512xf32, #tpu.memory_space<vmem>>, vector<16xf32>,
      tpu.vector_store %arg11[%parallel_loop3A_135, %parallel_loop3A_136], %parallel_loop3A_133 {strides = array<i32>} : memref<14x512xf32, #tpu.memory_space<vmem>>, vector<16xf32>,
      %parallel_loop3A_138 = arith.constant 17 : i32
      %parallel_loop3A_139 = vector.broadcast %parallel_loop3A_138 : i32 to vector<16xi32>
      %parallel_loop3A_140 = arith.divsi %parallel_loop3A_23, %parallel_loop3A_139 : vector<16xi32>
      %parallel_loop3A_141 = arith.constant 17 : i32
      %parallel_loop3A_142 = vector.broadcast %parallel_loop3A_141 : i32 to vector<16xi32>
      %parallel_loop3A_143 = arith.muli %parallel_loop3A_140, %parallel_loop3A_142 : vector<16xi32>
      %parallel_loop3A_144 = arith.subi %parallel_loop3A_23, %parallel_loop3A_143 : vector<16xi32>
      %parallel_loop3A_145 = arith.constant 0 : i32
      %parallel_loop3A_146 = vector.broadcast %parallel_loop3A_145 : i32 to vector<16xi32>
      %parallel_loop3A_147 = arith.cmpi sge, %parallel_loop3A_23, %parallel_loop3A_146 : vector<16xi32>
      %parallel_loop3A_148 = arith.constant 14 : i32
      %parallel_loop3A_149 = vector.broadcast %parallel_loop3A_148 : i32 to vector<16xi32>
      %parallel_loop3A_150 = arith.minsi %parallel_loop3A_144, %parallel_loop3A_149 : vector<16xi32>
      %parallel_loop3A_151 = arith.sitofp %parallel_loop3A_150 : vector<16xi32> to vector<16xf32>
      %parallel_loop3A_152 = arith.constant 10 : i32
      %parallel_loop3A_153 = vector.broadcast %parallel_loop3A_152 : i32 to vector<16xi32>
      %parallel_loop3A_154 = arith.minsi %parallel_loop3A_140, %parallel_loop3A_153 : vector<16xi32>
      %parallel_loop3A_155 = arith.sitofp %parallel_loop3A_154 : vector<16xi32> to vector<16xf32>
      %parallel_loop3A_156 = arith.constant 0.0714285746 : f32
      %parallel_loop3A_157 = vector.broadcast %parallel_loop3A_156 : f32 to vector<16xf32>
      %parallel_loop3A_158 = arith.mulf %parallel_loop3A_151, %parallel_loop3A_157 : vector<16xf32>
      %parallel_loop3A_159 = arith.constant 0.000000e+00 : f32
      %parallel_loop3A_160 = vector.broadcast %parallel_loop3A_159 : f32 to vector<16xf32>
      %parallel_loop3A_161 = arith.select %parallel_loop3A_147, %parallel_loop3A_158, %parallel_loop3A_160 : vector<16xi1>, vector<16xf32>
      %parallel_loop3A_162 = arith.constant 11 : i32
      %parallel_loop3A_163 = arith.index_cast %parallel_loop3A_162 : i32 to index
      %parallel_loop3A_164 = arith.index_cast %parallel_loop3A_17 : i32 to index
      %parallel_loop3A_165 = tpu.vector_load %arg11[%parallel_loop3A_163, %parallel_loop3A_164] {strides = array<i32>} : memref<14x512xf32, #tpu.memory_space<vmem>>, vector<16xf32>,
      tpu.vector_store %arg11[%parallel_loop3A_163, %parallel_loop3A_164], %parallel_loop3A_161 {strides = array<i32>} : memref<14x512xf32, #tpu.memory_space<vmem>>, vector<16xf32>,
      %parallel_loop3A_166 = arith.constant 1.000000e-01 : f32
      %parallel_loop3A_167 = vector.broadcast %parallel_loop3A_166 : f32 to vector<16xf32>
      %parallel_loop3A_168 = arith.mulf %parallel_loop3A_155, %parallel_loop3A_167 : vector<16xf32>
      %parallel_loop3A_169 = arith.constant 0.000000e+00 : f32
      %parallel_loop3A_170 = vector.broadcast %parallel_loop3A_169 : f32 to vector<16xf32>
      %parallel_loop3A_171 = arith.select %parallel_loop3A_147, %parallel_loop3A_168, %parallel_loop3A_170 : vector<16xi1>, vector<16xf32>
      %parallel_loop3A_172 = arith.constant 12 : i32
      %parallel_loop3A_173 = arith.index_cast %parallel_loop3A_172 : i32 to index
      %parallel_loop3A_174 = arith.index_cast %parallel_loop3A_17 : i32 to index
      %parallel_loop3A_175 = tpu.vector_load %arg11[%parallel_loop3A_173, %parallel_loop3A_174] {strides = array<i32>} : memref<14x512xf32, #tpu.memory_space<vmem>>, vector<16xf32>,
      tpu.vector_store %arg11[%parallel_loop3A_173, %parallel_loop3A_174], %parallel_loop3A_171 {strides = array<i32>} : memref<14x512xf32, #tpu.memory_space<vmem>>, vector<16xf32>,
      %parallel_loop3A_176 = arith.constant 1.000000e+00 : f32
      %parallel_loop3A_177 = arith.constant 0.000000e+00 : f32
      %parallel_loop3A_178 = vector.broadcast %parallel_loop3A_176 : f32 to vector<16xf32>
      %parallel_loop3A_179 = vector.broadcast %parallel_loop3A_177 : f32 to vector<16xf32>
      %parallel_loop3A_180 = arith.select %parallel_loop3A_147, %parallel_loop3A_178, %parallel_loop3A_179 : vector<16xi1>, vector<16xf32>
      %parallel_loop3A_181 = arith.constant 13 : i32
      %parallel_loop3A_182 = arith.index_cast %parallel_loop3A_181 : i32 to index
      %parallel_loop3A_183 = arith.index_cast %parallel_loop3A_17 : i32 to index
      %parallel_loop3A_184 = tpu.vector_load %arg11[%parallel_loop3A_182, %parallel_loop3A_183] {strides = array<i32>} : memref<14x512xf32, #tpu.memory_space<vmem>>, vector<16xf32>,
      tpu.vector_store %arg11[%parallel_loop3A_182, %parallel_loop3A_183], %parallel_loop3A_180 {strides = array<i32>} : memref<14x512xf32, #tpu.memory_space<vmem>>, vector<16xf32>,
    } {sc.loop_unroll_factor = 1 : i64, sc.parallel_access}
    "tpu.region"() ({
      %run_scoped3A = tpu.sem_alloc : memref<!tpu.dma_semaphore, #tpu.memory_space<semaphore_mem>>
      %dma_start3A_15 = arith.constant 0 : i32
      %dma_start3A_16 = tpu.memref_slice %arg6[%dma_start3A_15, %mul3A_2] : memref<14x16384xf32, #tpu.memory_space<hbm>> -> memref<14x512xf32, #tpu.memory_space<hbm>>
      %dma_start3A_17 = arith.constant 0 : i32
      %dma_start3A_18 = tpu.memref_slice %arg6[%dma_start3A_17, %mul3A_2] : memref<14x16384xf32, #tpu.memory_space<hbm>> -> memref<14x512xf32, #tpu.memory_space<hbm>>
      tpu.enqueue_dma source(%arg11 : memref<14x512xf32, #tpu.memory_space<vmem>>) target(%dma_start3A_18 : memref<14x512xf32, #tpu.memory_space<hbm>>) target_semaphore(%run_scoped3A : memref<!tpu.dma_semaphore, #tpu.memory_space<semaphore_mem>>)
      %dma_wait3A_19 = arith.constant 0 : i32
      %dma_wait3A_20 = tpu.memref_slice %arg6[%dma_wait3A_19, %mul3A_2] : memref<14x16384xf32, #tpu.memory_space<hbm>> -> memref<14x512xf32, #tpu.memory_space<hbm>>
      %dma_wait3A_21 = arith.constant 0 : i32
      %dma_wait3A_22 = tpu.memref_slice %arg6[%dma_wait3A_21, %mul3A_2] : memref<14x16384xf32, #tpu.memory_space<hbm>> -> memref<14x512xf32, #tpu.memory_space<hbm>>
      tpu.wait_dma2 semaphore(%run_scoped3A : memref<!tpu.dma_semaphore, #tpu.memory_space<semaphore_mem>>) src(%arg11 : memref<14x512xf32, #tpu.memory_space<vmem>>) dst(%dma_wait3A_22 : memref<14x512xf32, #tpu.memory_space<hbm>>)
      tpu.yield
    }) : () -> ()
    return
  }
}

</mosaic_0001>

<sc_bundles>
// kernel: kernel.3.cloned.1.call-start
scs
__scs_entry_jumppad:
0x0: {  	(pc) =	sbr.rel $0x88, $3  }
0x1: {  	(tag) =	ssettag $0x0;
	lr =	simm.s32 $0x1  }
0x2: {  	[smem:$0x3F9D] =	sst lr;
	_ =	strace $0xD0000000  }
0x3: {  	_ = 	snop  }
0x4: {  	_ = 	snop  }
0x5: {  	_ = 	snop  }
0x6: {  	_ = 	snop  }
0x7: {  	_ = 	snop  }
__scs_overlays_trampoline_lowered:
0x8: {  	[smem:$0x3FAC] =	sst s0  }
0x9: {  	[smem:$0x3FAD] =	sst s1  }
0xa: {  	[smem:$0x3FAE] =	sst s2  }
0xb: {  	[smem:$0x3FAF] =	sst s3  }
0xc: {  	[smem:$0x3FB0] =	sst s4  }
0xd: {  	[smem:$0x3FB1] =	sst s5  }
0xe: {  	[smem:$0x3FB2] =	sst s6  }
0xf: {  	[smem:$0x3FB3] =	sst s7  }
0x10: {  	[smem:$0x3FB4] =	sst s8  }
0x11: {  	[smem:$0x3FB5] =	sst s9;
	s0 =	simm.s32 @!p0 $0x0  }
0x12: {  	s1 =	sld [smem:$0x3F9B];
	s0 =	simm.s32 @p0 $0x1  }
0x13: {  	[smem:$0x3FB6] =	sst s0;
	s0 =	simm.s32 @!p1 $0x0  }
0x14: {  	s2 =	sld [smem:$0x3F9A];
	s0 =	simm.s32 @p1 $0x1  }
0x15: {  	[smem:$0x3FB7] =	sst s0;
	s0 =	simm.s32 @!p2 $0x0  }
0x16: {  	s3 =	sld [smem:$0x3FDB];
	s0 =	simm.s32 @p2 $0x1  }
0x17: {  	s4 =	simm.s32 $0x1BF5;
	[smem:$0x3FB9] =	sst s0  }
0x18: {  	s0 =	sld [smem:$0x3F9C];
	_ =	swait.ge [sflag:s4], $0x0  }
0x19: {  	s7 =	sld [smem:$0x3F9D]  }
0x1a: {  	s8 =	sadd.s32 $0xFFFFE003, lr  }
0x1b: {  	s9 =	sadd.s32 $0xFFFFFEF7, lr;
	s5 =	simm.s32 $0xFFFFFFFF;
	p2 =	slt.u32 s8, $0xFFFFF086  }
0x1c: {  	p1 =	slt.u32 s9, $0xF7A;
	s5 =	simm.s32 @!p2 $0x0  }
0x1d: {  	s5 =	simm.s32 @p1 $0x1;
	p0 =	seq.s32 s7, s2  }
0x1e: {  	s7 =	smul.u32 @!p0 $0xF7A, s2;
	p2 =	seq.s32 @!p0 s5, $0x0  }
0x1f: {  	s9 =	smul.u32 $0xF7A, s1;
	s8 =	simm.s32 @!p0 $0x1BF5;
	p2 =	por !p2, p0  }
0x20: {  	[sflag:s8] =	ssyncset.s32 @!p0 $0xFFFFF086;
	s6 =	sadd.s32 @!p0 s3, s7;
	s7 =	simm.s32 @!p0 $0x108  }
0x21: {  	s3 =	sadd.s32 s3, s9;
	s6 =	sadd.s32 @!p0 $0x88, s6;
	s7 =	simm.s32 @p2 $0x1082  }
0x22: {  	[simem:s7], [sflag:s8] =	dma.local @!p0 [hbm:s6], $0xF7A  }
0x23: {  	s9 =	sor.u32 $0xD0000000, s2;
	s6 =	simm.s32 $0x108;
	_ =	swait.ge @!p0 [sflag:s8], $0x0  }
0x24: {  	s3 =	sadd.s32 $0x88, s3;
	s6 =	simm.s32 @!p1 $0x1082;
	[sflag:s4] =	ssyncset.s32 $0xFFFFF086  }
0x25: {  	[simem:s6], [sflag:s4] =	dma.local [hbm:s3], $0xF7A  }
0x26: {  	[smem:$0x3F9D] =	sst s1;
	(tag) =	ssettag s2;
	_ =	strace s9  }
0x27: {  	s1 =	sld [smem:$0x3FAD]  }
0x28: {  	s2 =	sld [smem:$0x3FAE]  }
0x29: {  	s4 =	sld [smem:$0x3FB0]  }
0x2a: {  	p0 =	seq.s32 s5, $0x0;
	s5 =	sld [smem:$0x3FB1]  }
0x2b: {  	s6 =	sld [smem:$0x3FB2]  }
0x2c: {  	s7 =	sld [smem:$0x3FB3]  }
0x2d: {  	s3 =	simm.s32 $0x108;
	s8 =	sld [smem:$0x3FB4]  }
0x2e: {  	s3 =	simm.s32 @!p0 $0x1082;
	s9 =	sld [smem:$0x3FB5]  }
0x2f: {  	lr =	sadd.s32 s0, s3;
	s0 =	sld [smem:$0x3FAC]  }
0x30: {  	s3 =	sld [smem:$0x3FAF]  }
0x31: {  	[smem:$0x3FB8] =	sst s10  }
0x32: {  	s10 =	sld [smem:$0x3FB6];
	_ =	sdelay $0x3  }
0x33: {  	p0 =	seq.s32 s10, $0x1;
	s10 =	sld [smem:$0x3FB8];
	_ =	sdelay $0x3  }
0x34: {  	[smem:$0x3FB8] =	sst s10  }
0x35: {  	s10 =	sld [smem:$0x3FB7];
	_ =	sdelay $0x3  }
0x36: {  	p1 =	seq.s32 s10, $0x1;
	s10 =	sld [smem:$0x3FB8];
	_ =	sdelay $0x3  }
0x37: {  	[smem:$0x3FB8] =	sst s10  }
0x38: {  	s10 =	sld [smem:$0x3FB9]  }
0x39: {  	_ = 	snop;
	(pc) =	sbr.ind lr, $3  }
0x3a: {  	_ = 	snop  }
0x3b: {  	_ = 	snop  }
0x3c: {  	p2 =	seq.s32 s10, $0x1;
	s10 =	sld [smem:$0x3FB8]  }
0x3d: {  	_ =	shalt  }
0x3e: {  	_ =	shalt  }
0x3f: {  	_ =	shalt  }
0x40: {  	_ =	shalt  }
0x41: {  	_ =	shalt  }
0x42: {  	_ =	shalt  }
0x43: {  	_ =	shalt  }
0x44: {  	_ =	shalt  }
0x45: {  	_ =	shalt  }
0x46: {  	_ =	shalt  }
0x47: {  	_ =	shalt  }
0x48: {  	_ =	shalt  }
0x49: {  	_ =	shalt  }
0x4a: {  	_ =	shalt  }
0x4b: {  	_ =	shalt  }
0x4c: {  	_ =	shalt  }
0x4d: {  	_ =	shalt  }
0x4e: {  	_ =	shalt  }
0x4f: {  	_ =	shalt  }
0x50: {  	_ =	shalt  }
0x51: {  	_ =	shalt  }
0x52: {  	_ =	shalt  }
0x53: {  	_ =	shalt  }
0x54: {  	_ =	shalt  }
0x55: {  	_ =	shalt  }
0x56: {  	_ =	shalt  }
0x57: {  	_ =	shalt  }
0x58: {  	_ =	shalt  }
0x59: {  	_ =	shalt  }
0x5a: {  	_ =	shalt  }
0x5b: {  	_ =	shalt  }
0x5c: {  	_ =	shalt  }
0x5d: {  	_ =	shalt  }
0x5e: {  	_ =	shalt  }
0x5f: {  	_ =	shalt  }
0x60: {  	_ =	shalt  }
0x61: {  	_ =	shalt  }
0x62: {  	_ =	shalt  }
0x63: {  	_ =	shalt  }
0x64: {  	_ =	shalt  }
0x65: {  	_ =	shalt  }
0x66: {  	_ =	shalt  }
0x67: {  	_ =	shalt  }
0x68: {  	_ =	shalt  }
0x69: {  	_ =	shalt  }
0x6a: {  	_ =	shalt  }
0x6b: {  	_ =	shalt  }
0x6c: {  	_ =	shalt  }
0x6d: {  	_ =	shalt  }
0x6e: {  	_ =	shalt  }
0x6f: {  	_ =	shalt  }
0x70: {  	_ =	shalt  }
0x71: {  	_ =	shalt  }
0x72: {  	_ =	shalt  }
0x73: {  	_ =	shalt  }
0x74: {  	_ =	shalt  }
0x75: {  	_ =	shalt  }
0x76: {  	_ =	shalt  }
0x77: {  	_ =	shalt  }
0x78: {  	_ =	shalt  }
0x79: {  	_ =	shalt  }
0x7a: {  	_ =	shalt  }
0x7b: {  	_ =	shalt  }
0x7c: {  	_ =	shalt  }
0x7d: {  	_ =	shalt  }
0x7e: {  	_ =	shalt  }
0x7f: {  	_ =	shalt  }
0x80: {  	_ =	shalt  }
0x81: {  	_ =	shalt  }
0x82: {  	_ =	shalt  }
0x83: {  	_ =	shalt  }
0x84: {  	_ =	shalt  }
0x85: {  	_ =	shalt  }
0x86: {  	_ =	shalt  }
0x87: {  	_ =	shalt  }
.Lfunc_end0:
.L_simem_size_0:
called_computation_lowered:
.L_overlay_start_0:
0x88: {  	s2 =	sld [smem:$0x3FD9]  }
0x89: {  	s3 =	sld [smem:$0x3FFE];
	_ =	sdelay $0x1  }
0x8a: {  	s1 =	srdreg.scid  }
0x8b: {  	s0 =	sand.u32 $0x1, s1  }
0x8c: {  	s17 =	sshll.u32 s0, $0xA;
	s2 =	sadd.s32 s3, s2  }
0x8d: {  	s2 =	sadd.s32 s2, s17  }
0x8e: {  	[smem:$0x3FC4] =	sst s2  }
0x8f: {  	_ = 	snop  }
0x90: {  	s2 =	sld [smem:$0x3FC8]  }
0x91: {  	s18 =	sld [smem:$0x3FC7]  }
0x92: {  	s4 =	sld [smem:$0x3FC6]  }
0x93: {  	s5 =	sld [smem:$0x3FD0];
	(tm) =	ssettm $0x1  }
0x94: {  	s6 =	sld [smem:$0x3FFB];
	_ =	sdelay $0x3  }
0x95: {  	_ =	strace s6  }
0x96: {  	s6 =	sld [smem:$0x3FFC];
	_ =	sdelay $0x3  }
0x97: {  	_ =	strace s6  }
0x98: {  	s6 =	sld [smem:$0x3FFD];
	_ =	sdelay $0x3  }
0x99: {  	_ =	strace s6  }
0x9a: {  	_ =	strace $0x8FFFFFFF  }
0x9b: {  	s19 =	sld [smem:$0x3FDB];
	_ =	sdelay $0x1  }
0x9c: {  	s7 =	simm.s32 $_scs_section_size  }
0x9d: {  	s8 =	simm.s32 $_size__tile_overlayer_lowered;
	s9 =	simm.s32 $_tile_overlayer_lowered  }
0x9e: {  	s22 =	simm.s32 $0x1BFF;
	s21 =	sshll.u32 s9, $0x1;
	s6 =	sadd.s32 s7, s19  }
0x9f: {  	s10 =	simm.s32 $0x0;
	s20 =	sshll.u32 s8, $0x1;
	s8 =	sadd.s32 s21, s6  }
0xa0: {  	[timem:s10], [sflag:s22] =	dma.local [hbm:s8], s20  }
0xa1: {  	_ =	swait.ge [sflag:s22], s20  }
0xa2: {  	s7 =	ssub.s32 $0x0, s20;
	[sflag:s22] =	ssyncset.done $0x0  }
0xa3: {  	[sflag:s22] =	ssyncadd.s32 s7;
	_ =	sdelay $0x1  }
0xa4: {  	s23 =	simm.s32 $0x1B8B  }
0xa5: {  	_ =	swait.ge [sflag:s23], $0x1  }
0xa6: {  	[sflag:s23] =	ssyncset.done $0x0  }
0xa7: {  	s25 =	simm.s32 $0x1B8E;
	s24 =	sld [smem:$0x3FFE];
	[sflag:s23] =	ssyncadd.s32 $0xFFFFFFFF  }
0xa8: {  	s26 =	simm.s32 $execute0_lowered;
	[smem:$0x3FD2] =	sst s25  }
0xa9: {  	s8 =	sshll.u32 s26, $0x1;
	_ =	strace $0x80000046;
	[dreg:$0x1] =	wrdreg $0xFFFFFFFF  }
0xaa: {  	s28 =	simm.s32 $_size_execute0_lowered;
	s6 =	sadd.s32 s6, s8;
	[dreg:$0x0] =	wrdreg $0x0  }
0xab: {  	s8 =	sshll.u32 s28, $0x1;
	[dreg:$0x2] =	wrdreg s6  }
0xac: {  	[dreg:$0x3] =	wrdreg s8  }
0xad: {  	[dreg:$0x4] =	wrdreg $0xC0  }
0xae: {  	_ =	task [dreg:s10], $0x5FFFF  }
0xaf: {  	[dreg:$0x1] =	wrdreg $0xFFFFFFFF  }
0xb0: {  	[dreg:$0x0] =	wrdreg $0x60  }
0xb1: {  	[dreg:$0x2] =	wrdreg s24  }
0xb2: {  	[dreg:$0x3] =	wrdreg s2  }
0xb3: {  	[dreg:$0x4] =	wrdreg s18  }
0xb4: {  	[dreg:$0x5] =	wrdreg s4  }
0xb5: {  	[dreg:$0x6] =	wrdreg s5  }
0xb6: {  	[dreg:$0x7] =	wrdreg $0x9  }
0xb7: {  	_ =	task.clear_ibuf [dreg:s10], $0x8FFFF;
	_ =	strace $0x90000046  }
0xb8: {  	s29 =	simm.s32 $0x9;
	_ =	strace $0x80000048  }
0xb9: {  	_ =	swait.ge [sflag:s29], $0x1  }
0xba: {  	[sflag:s29] =	ssyncadd.s32 $0xFFFFFFFF  }
0xbb: {  	_ =	strace $0x90000048  }
0xbc: {  	_ =	sfence  }
0xbd: {  	s30 =	sld [smem:$0x0];
	_ =	sdelay $0x2  }
0xbe: {  	s31 =	sshll.u32 s1, $0xD;
	s1 =	sshrl.u32 s1, $0x2  }
0xbf: {  	s3 =	sand.u32 $0x4000, s31;
	s1 =	sadd.s32 s1, s30  }
0xc0: {  	s0 =	sor.u32 s3, s0;
	s1 =	sshll.u32 s1, $0x11  }
0xc1: {  	s0 =	sor.u32 s1, s0  }
0xc2: {  	s0 =	sadd.s32 $0x8F2B, s0  }
0xc3: {  	[sflag:s0] =	ssyncadd.remote.s32 $0x1  }
0xc4: {  	_ =	sfence.sel $0xFFFF  }
0xc5: {  	[dreg:$0x0] =	wrdreg $0xFFFFFFFF;
	(pc) =	sbr.abs _section_cstart, $3  }
0xc6: {  	[dreg:$0x1] =	wrdreg $0xFFFFFFFF  }
0xc7: {  	_ =	task.clear_ibuf [dreg:s10], $0x2FFFF;
	_ =	strace $0x9FFFFFFF  }
0xc8: {  	(tm) =	ssettm $0x7FFFFFFF  }
0xc9: {  	_ =	shalt  }
tec
execute0_lowered:
.L_overlay_start_1:
0x0: {  	(tag) =	ssettag $0x1  }
0x1: {  	s0 =	rddreg [dreg:$0x0]  }
0x2: {  	s1 =	rddreg [dreg:$0x1]  }
0x3: {  	s2 =	rddreg [dreg:$0x2]  }
0x4: {  	s3 =	rddreg [dreg:$0x3]  }
0x5: {  	s4 =	rddreg [dreg:$0x4];
	s5 =	srdreg.scid  }
0x6: {  	s7 =	simm.s32 $0x0;
	s6 =	stileid.u32;
	s5 =	sand.u32 $0x1, s5  }
0x7: {  	[smem:$0x7FF] =	sst s7;
	s6 =	sshll.u32 s6, $0xA;
	s26 =	sshll.u32 s5, $0x9  }
0x8: {  	s0 =	sadd.s32 $0x400, s0;
	_ =	strace $0x80000047;
	s6 =	sor.u32 s26, s6  }
0x9: {  	[smem:$0x7F8] =	sst s0;
	s7 =	sshrl.u32 s6, $0x3;
	s31 =	sadd.s32 s4, s6  }
0xa: {  	v0 =	vimm.s32 $0xECA86420;
	s5 =	ssub.s32 $0x2, s5;
	s1 =	sadd.s32 s1, s7;
	[smem:$0x7FC] =	sst s31  }
0xb: {  	vm13 =	vcmask $0x2B28;
	v1 =	vlaneseq.u32;
	vm6 =	vcmask $0x3330;
	s28 =	sshrl.u32 s5, $0x1;
	s29 =	sadd.s32 s2, s7;
	[smem:$0x7F9] =	sst s1  }
0xc: {  	vm7 =	vcmask $0x3B38;
	vm8 =	vmmov $0xff;
	v0 =	vunpack.c.l.s4.s8 v0;
	s0 =	ssub.s32 s5, s28;
	s30 =	sadd.s32 s3, s7;
	[smem:$0x7FA] =	sst s29  }
0xd: {  	vm12 =	vcmask $0x2724;
	vm14 =	vcmask $0x2F2C;
	vm15 =	vcmask $0x3734;
	s0 =	smax.u32 s0, $0x1;
	[smem:$0x7FB] =	sst s30  }
0xe: {  	v2 =	vimm.f32 $0.0e+00;
	v1 =	vmul.u32 $0x2, v1;
	v0 =	vunpack.c.0.s8.s32 v0;
	s2 =	simm.s32 $0x0;
	[smem:$0x7FD] =	sst s0  }
.LBB2_1:
0xf: {  	s0 =	sld [smem:$0x7F8];
	_ =	sdelay $0x1  }
0x10: {  	s31 =	simm.s32 $0x0;
	s1 =	sld [smem:$0x7F9]  }
0x11: {  	[tilespmem:s31], [sflag:$0x1] =	stream.linear.gather [hbm4b:s0+s31], $0x80, $0x38;
	[tilespmem:$0x2680] =	vst v63  }
0x12: {  	s18 =	simm.s32 $0x80;
	s19 =	sld [smem:$0x7FA]  }
0x13: {  	[tilespmem:s18], [sflag:$0x1] =	stream.linear.gather [hbm4b:s1+s31], $0x200, $0x38;
	[tilespmem:$0x2680] =	vst v63  }
0x14: {  	s3 =	simm.s32 $0x280;
	s21 =	sld [smem:$0x7FB]  }
0x15: {  	[tilespmem:s3], [sflag:$0x1] =	stream.linear.gather [hbm4b:s19+s31], $0x200, $0x38;
	[tilespmem:$0x2680] =	vst v63  }
0x16: {  	[smem:$0x7EC] =	sst s2;
	s20 =	simm.s32 $0x480;
	s22 =	simm.s32 $0x1  }
0x17: {  	[tilespmem:s20], [sflag:$0x1] =	stream.linear.gather [hbm4b:s21+s31], $0x200, $0x38;
	[tilespmem:$0x2680] =	vst v63  }
0x18: {  	_ =	swait.ge [sflag:s22], $0x80  }
0x19: {  	[sflag:s22] =	ssyncset.done $0x0  }
0x1a: {  	[sflag:s22] =	ssyncadd.s32 $0xFFFFFF80  }
0x1b: {  	_ =	swait.ge [sflag:s22], $0x200  }
0x1c: {  	[sflag:s22] =	ssyncset.done $0x0  }
0x1d: {  	[sflag:s22] =	ssyncadd.s32 $0xFFFFFE00  }
0x1e: {  	_ =	swait.ge [sflag:s22], $0x200  }
0x1f: {  	[sflag:s22] =	ssyncset.done $0x0  }
0x20: {  	[sflag:s22] =	ssyncadd.s32 $0xFFFFFE00  }
0x21: {  	_ =	swait.ge [sflag:s22], $0x200  }
0x22: {  	s23 =	simm.s32 $0x280;
	[sflag:s22] =	ssyncset.done $0x0  }
0x23: {  	[dreg:$0xa] =	wrdreg s23;
	[sflag:s22] =	ssyncadd.s32 $0xFFFFFE00  }
0x24: {  	s24 =	simm.s32 $0x480;
	v4 =	vld [tilespmem:s3+$0x0]  }
0x25: {  	[dreg:$0x9] =	wrdreg s24  }
0x26: {  	v3 =	vld [tilespmem:s20+$0x0];
	_ =	sdelay $0x2  }
0x27: {  	(v2sf) =	vpush v4, $0x7;
	_ =	sdelay $0x1  }
0x28: {  	(v2sf) =	vpush v3, $0x7;
	_ =	sdelay $0x1  }
0x29: {  	(v2sf) =	vpush v4, $0x0;
	_ =	sdelay $0x1  }
0x2a: {  	v5 =	vld [tilespmem:s18+$0x0];
	(v2sf) =	vpush v3, $0x0;
	_ =	sdelay $0x1  }
0x2b: {  	(v2sf) =	vpush v4, $0x1;
	_ =	sdelay $0x1  }
0x2c: {  	(v2sf) =	vpush v3, $0x1  }
0x2d: {  	v5 =	vshll.u32 v5, $0x3  }
0x2e: {  	(v2sf) =	vpush v4, $0x2;
	_ =	sdelay $0x1  }
0x2f: {  	(v2sf) =	vpush v3, $0x2  }
0x30: {  	s25 =	spop (v2sf)  }
0x31: {  	v6 =	vld.idx.msk [tilespmem:v5+s31+$0x0], $0xffff;
	(v2sf) =	vpush v4, $0x3;
	s26 =	smulhi.u32 $0x78787879, s25;
	s0 =	sshra.s32 s25, $0x1F  }
0x32: {  	v7 =	vor.u32 $0x1, v5;
	s15 =	spop (v2sf);
	s0 =	smul.u32 $0x78787879, s0  }
0x33: {  	s8 =	sand.u32 $0x70, s31;
	(v2sf) =	vpush v3, $0x3;
	s16 =	sshra.s32 s15, $0x1F;
	s2 =	smulhi.u32 $0x78787879, s15  }
0x34: {  	s12 =	sand.u32 $0xC00, s31;
	s4 =	spop (v2sf);
	s3 =	smul.u32 $0x78787879, s16  }
0x35: {  	s19 =	sor.u32 s8, s12;
	(v2sf) =	vpush v4, $0x4;
	s5 =	sshra.s32 s4, $0x1F;
	s4 =	smulhi.u32 $0x78787879, s4  }
0x36: {  	[tilespmem:s19+$0x680] =	vst v6;
	s6 =	spop (v2sf);
	s5 =	smul.u32 $0x78787879, s5  }
0x37: {  	v6 =	vld.idx.msk [tilespmem:v7+s31+$0x0], $0xffff;
	(v2sf) =	vpush v3, $0x4;
	s7 =	sshra.s32 s6, $0x1F;
	s6 =	smulhi.u32 $0x78787879, s6  }
0x38: {  	v7 =	vor.u32 $0x2, v5;
	(v2sf) =	vpush v4, $0xC;
	s9 =	spop (v2sf);
	s7 =	smul.u32 $0x78787879, s7  }
0x39: {  	(v2sf) =	vpush v4, $0x8;
	s11 =	sshra.s32 s9, $0x1F;
	s9 =	smulhi.u32 $0x78787879, s9  }
0x3a: {  	s10 =	spop (v2sf);
	s11 =	smul.u32 $0x78787879, s11  }
0x3b: {  	(v2sf) =	vpush v3, $0xC;
	s13 =	sshra.s32 s10, $0x1F;
	s10 =	smulhi.u32 $0x78787879, s10  }
0x3c: {  	[tilespmem:s19+$0x700] =	vst v6;
	s17 =	spop (v2sf);
	s8 =	smul.u32 $0x78787879, s13  }
0x3d: {  	v6 =	vld.idx.msk [tilespmem:v7+s31+$0x0], $0xffff;
	s26 =	sadd.s32 s0, s26;
	(v2sf) =	vpush v3, $0x8;
	s14 =	sshra.s32 s17, $0x1F;
	s1 =	smulhi.u32 $0x78787879, s17  }
0x3e: {  	v7 =	vor.u32 $0x3, v5;
	s25 =	sadd.s32 s3, s2;
	(v2sf) =	vpush v4, $0xD;
	s18 =	spop (v2sf);
	s14 =	smul.u32 $0x78787879, s14  }
0x3f: {  	s4 =	sadd.s32 s5, s4;
	s15 =	sshra.s32 s18, $0x1F;
	s13 =	smulhi.u32 $0x78787879, s18  }
0x40: {  	s2 =	sadd.s32 s7, s6;
	(v2sf) =	vpush v4, $0x9;
	s20 =	spop (v2sf);
	s15 =	smul.u32 $0x78787879, s15  }
0x41: {  	s3 =	sadd.s32 s11, s9;
	s16 =	sshra.s32 s20, $0x1F;
	s7 =	smulhi.u32 $0x78787879, s20  }
0x42: {  	[tilespmem:s19+$0x780] =	vst v6;
	s16 =	smul.u32 $0x78787879, s16;
	s1 =	sadd.s32 s14, s1;
	s21 =	spop (v2sf)  }
0x43: {  	v6 =	vld.idx.msk [tilespmem:v7+s31+$0x0], $0xffff;
	[dreg:$0x13] =	wrdreg s1;
	s22 =	sshra.s32 s21, $0x1F;
	s12 =	smulhi.u32 $0x78787879, s21  }
0x44: {  	(v2sf) =	vpush v4, $0x5;
	s7 =	sadd.s32 s16, s7;
	s5 =	spop (v2sf);
	s17 =	smul.u32 $0x78787879, s22  }
0x45: {  	[dreg:$0x11] =	wrdreg s7;
	s23 =	sshra.s32 s5, $0x1F;
	s5 =	smulhi.u32 $0x78787879, s5  }
0x46: {  	s0 =	sadd.s32 s8, s10;
	s6 =	spop (v2sf);
	s21 =	smul.u32 $0x78787879, s23  }
0x47: {  	s18 =	spop (v2sf);
	s20 =	sshra.s32 s6, $0x1F;
	s10 =	smulhi.u32 $0x78787879, s6  }
0x48: {  	s30 =	sadd.s32 s15, s13;
	s22 =	spop (v2sf);
	s24 =	smul.u32 $0x78787879, s20  }
0x49: {  	(v2sf) =	vpush v3, $0xD;
	s8 =	sshra.s32 s18, $0x1F;
	s16 =	sadd.s32 s17, s12;
	s18 =	smulhi.u32 $0x78787879, s18  }
0x4a: {  	(v2sf) =	vpush v3, $0x9;
	s23 =	spop (v2sf);
	s13 =	sshra.s32 s22, $0x1F;
	s1 =	smul.u32 $0x78787879, s8  }
0x4b: {  	v7 =	vor.u32 $0x4, v5;
	[dreg:$0xd] =	wrdreg s16;
	s28 =	sadd.s32 s21, s5;
	s21 =	sor.u32 s31, s31  }
0x4c: {  	(v2sf) =	vpush v3, $0x5;
	s20 =	spop (v2sf);
	s14 =	sshra.s32 s23, $0x1F;
	s15 =	smul.u32 $0x78787879, s13  }
0x4d: {  	[tilespmem:s19+$0x800] =	vst v6;
	s8 =	sadd.s32 s24, s10;
	s24 =	smulhi.u32 $0x78787879, s22;
	s6 =	spop (v2sf)  }
0x4e: {  	s11 =	sor.u32 $0x380, s21;
	s7 =	smul.u32 $0x78787879, s14;
	[dreg:$0xc] =	wrdreg s8  }
0x4f: {  	s17 =	sshra.s32 s20, $0x1F;
	s14 =	smulhi.u32 $0x78787879, s23;
	s5 =	spop (v2sf)  }
0x50: {  	s22 =	sadd.s32 s1, s18;
	s13 =	smul.u32 $0x78787879, s17;
	v6 =	vld.idx.msk [tilespmem:v7+s31+$0x0], $0xffff;
	[smem:$0x7F6] =	sst s11  }
0x51: {  	s15 =	sadd.s32 s15, s24;
	s16 =	sshra.s32 s6, $0x1F;
	s17 =	smulhi.u32 $0x78787879, s20  }
0x52: {  	[smem:$0x7F5] =	sst s15;
	s18 =	sadd.s32 s7, s14;
	s21 =	smul.u32 $0x78787879, s16  }
0x53: {  	s12 =	spop (v2sf);
	s20 =	sshra.s32 s5, $0x1F;
	[dreg:$0x15] =	wrdreg s18  }
0x54: {  	v7 =	vor.u32 $0x5, v5;
	s23 =	sadd.s32 s13, s17;
	s7 =	smul.u32 $0x78787879, s20;
	[smem:$0x7ED] =	sst s21  }
0x55: {  	s24 =	sshra.s32 s12, $0x1F;
	[smem:$0x7F7] =	sst s23  }
0x56: {  	(v2sf) =	vpush v4, $0xE;
	s9 =	smul.u32 $0x78787879, s24;
	[smem:$0x7EE] =	sst s7  }
0x57: {  	(v2sf) =	vpush v4, $0xA;
	[tilespmem:s19+$0x880] =	vst v6  }
0x58: {  	(v2sf) =	vpush v3, $0xE;
	[smem:$0x7EF] =	sst s9;
	s16 =	spop (v2sf)  }
0x59: {  	(v2sf) =	vpush v3, $0xA;
	v6 =	vld.idx.msk [tilespmem:v7+s31+$0x0], $0xffff;
	s17 =	spop (v2sf);
	[smem:$0x7F0] =	sst s16  }
0x5a: {  	(v2sf) =	vpush v4, $0xF;
	[dreg:$0x1e] =	wrdreg s17;
	s18 =	sshra.s32 s17, $0x1F  }
0x5b: {  	(v2sf) =	vpush v4, $0xB;
	s9 =	sshra.s32 s16, $0x1F;
	s21 =	spop (v2sf);
	s1 =	smul.u32 $0x78787879, s18  }
0x5c: {  	s9 =	smul.u32 $0x78787879, s9;
	[dreg:$0x1f] =	wrdreg s21;
	s15 =	sshra.s32 s21, $0x1F  }
0x5d: {  	(v2sf) =	vpush v4, $0x6;
	[smem:$0x7F2] =	sst s1;
	s1 =	smul.u32 $0x78787879, s15  }
0x5e: {  	(v2sf) =	vpush v3, $0xF;
	v7 =	vor.u32 $0x6, v5;
	[smem:$0x7F1] =	sst s9  }
0x5f: {  	[smem:$0x7F3] =	sst s1  }
0x60: {  	(v2sf) =	vpush v3, $0xB;
	[tilespmem:s19+$0x900] =	vst v6  }
0x61: {  	[dreg:$0x7] =	wrdreg s26  }
0x62: {  	[dreg:$0x8] =	wrdreg s25  }
0x63: {  	s29 =	sshra.s32 s3, $0x1F;
	s10 =	sshra.s32 s4, $0x3;
	s8 =	sshra.s32 s4, $0x1F;
	v6 =	vld.idx.msk [tilespmem:v7+s31+$0x0], $0xffff  }
0x64: {  	s4 =	sshrl.u32 s4, $0x1F;
	s20 =	sshra.s32 s2, $0x3;
	s13 =	sshrl.u32 s3, $0x1F  }
0x65: {  	s23 =	sshra.s32 s2, $0x1F;
	v5 =	vor.u32 $0x7, v5;
	s16 =	sshra.s32 s26, $0x1F;
	s24 =	spop (v2sf)  }
0x66: {  	s17 =	sshra.s32 s3, $0x3;
	s21 =	sshrl.u32 s2, $0x1F;
	s14 =	spop (v2sf)  }
0x67: {  	(v2sf) =	vpush v3, $0x6;
	s18 =	sshra.s32 s0, $0x3;
	s15 =	smulhi.u32 $0x78787879, s6;
	s11 =	spop (v2sf)  }
0x68: {  	vm3 =	vcmask $0x300;
	s3 =	sshra.s32 s14, $0x1F;
	s1 =	spop (v2sf);
	s25 =	sshra.s32 s25, $0x1F;
	v7 =	vmov s16;
	[tilespmem:s19+$0x980] =	vst v6  }
0x69: {  	s6 =	spop (v2sf);
	s26 =	sshra.s32 s30, $0x1F;
	v8 =	vmov s25;
	v7 =	vsel vm3, s10, v7;
	s10 =	rddreg [dreg:$0x13]  }
0x6a: {  	vm9 =	vcmask $0x704;
	s25 =	sshra.s32 s0, $0x1F;
	s2 =	spop (v2sf);
	v8 =	vsel vm3, s20, v8;
	v5 =	vld.idx.msk [tilespmem:v5+s31+$0x0], $0xffff;
	[dreg:$0xf] =	wrdreg s30  }
0x6b: {  	s20 =	sshrl.u32 s0, $0x1F;
	v8 =	vsel vm9, s23, v8;
	s23 =	smulhi.u32 $0x78787879, s5;
	s5 =	rddreg [dreg:$0x11]  }
0x6c: {  	s9 =	spop (v2sf);
	s0 =	sshra.s32 s24, $0x1F;
	[smem:$0x7F4] =	sst s24  }
0x6d: {  	vm0 =	vcmask $0xB08;
	v7 =	vsel vm9, s8, v7;
	s8 =	smov.u32 s22;
	s16 =	spop (v2sf);
	[dreg:$0x1c] =	wrdreg s14  }
0x6e: {  	s22 =	simm.s32 $0x10;
	v8 =	vsel vm0, s18, v8;
	s18 =	smulhi.u32 $0x78787879, s12;
	[dreg:$0x1d] =	wrdreg s1  }
0x6f: {  	vm1 =	vcmask $0x1310;
	vm9 =	vcmask $0xF0C;
	v7 =	vsel vm0, s17, v7;
	s17 =	sshra.s32 s30, $0x3;
	s7 =	spop (v2sf);
	[dreg:$0xe] =	wrdreg s28  }
0x70: {  	v9 =	vmov s21;
	v7 =	vsel vm9, s29, v7;
	v8 =	vsel vm9, s25, v8;
	s29 =	sshra.s32 s28, $0x3;
	[dreg:$0x1b] =	wrdreg s2;
	s12 =	sshra.s32 s10, $0x3  }
0x71: {  	s14 =	smov.u32 s11;
	s31 =	smov.u32 s6;
	s21 =	sld [smem:$0x7F6];
	v6 =	vsel vm1, s12, v7;
	v7 =	vsel vm1, s17, v8;
	v8 =	vmov s4  }
0x72: {  	vm9 =	vcmask $0x1714;
	s28 =	smov.u32 s9;
	s25 =	sshra.s32 s10, $0x1F;
	s12 =	rddreg [dreg:$0xd];
	vm1 =	vcmask $0x1B18;
	v8 =	vnsel vm3, $0x0, v8  }
0x73: {  	s10 =	sshra.s32 s5, $0x3;
	v6 =	vsel vm9, s25, v6;
	v7 =	vsel vm9, s26, v7;
	s25 =	sshra.s32 s12, $0x3;
	v12 =	vsel vm0, s13, v8;
	s13 =	sld [smem:$0x7F5]  }
0x74: {  	s26 =	sshra.s32 s5, $0x1F;
	s5 =	sshra.s32 s12, $0x1F;
	vm9 =	vcmask $0x1F1C;
	v6 =	vsel vm1, s10, v6;
	v7 =	vsel vm1, s25, v7;
	s10 =	rddreg [dreg:$0xc];
	[tilespmem:s21+$0x680] =	vst v5  }
0x75: {  	s30 =	sshra.s32 s7, $0x1F;
	s24 =	simm.s32 $0x0;
	v6 =	vsel vm9, s26, v6;
	v7 =	vsel vm9, s5, v7;
	vm9 =	vgt.s32 v3, $0xFFFFFFFF;
	[dreg:$0x18] =	wrdreg s16  }
0x76: {  	vm10 =	vgt.s32 v4, $0xFFFFFFFF;
	s17 =	spop (v2sf);
	s4 =	sshra.s32 s1, $0x1F;
	v8 =	vnsel vm3, $0x0, v9;
	v5 =	vsel vm9, $0x3F800000, v2;
	[dreg:$0x19] =	wrdreg s7  }
0x77: {  	s12 =	sshra.s32 s6, $0x1F;
	s6 =	simm.s32 $0x90;
	s1 =	sshra.s32 s17, $0x1F;
	v9 =	vsel vm0, s20, v8;
	vm0 =	vmmov vm10;
	[tilespmem:s19+$0x1900] =	vst v5;
	v5 =	vimm.s32 $0x0  }
0x78: {  	s25 =	sshra.s32 s11, $0x1F;
	vm3 =	vcmask $0x2320;
	s11 =	sshra.s32 s10, $0x3;
	[dreg:$0x1a] =	wrdreg s17;
	v5 =	vsel vm0, $0xFFFFFFFF, v5  }
0x79: {  	s10 =	sshra.s32 s2, $0x1F;
	v11 =	vsel vm3, s29, v6;
	v6 =	vsel vm10, $0x3F800000, v2;
	s29 =	sshrl.u32 s8, $0x1F;
	[dreg:$0x6] =	wrdreg s19;
	[tilespmem:$0x1FFF0] =	vst v5  }
0x7a: {  	s26 =	sshra.s32 s9, $0x1F;
	s21 =	sshra.s32 s16, $0x1F;
	v10 =	vmov s29;
	s29 =	sld [smem:$0x7F7];
	[tilespmem:s19+$0x1780] =	vst v6  }
0x7b: {  	v8 =	vsel vm3, s11, v7;
	s7 =	simm.s32 $0x20;
	v7 =	vld [tilespmem:s6+$0x0];
	s19 =	sshrl.u32 s13, $0x1F;
	[dreg:$0xb] =	wrdreg s24  }
.LBB2_2:
0x7c: {  	[dreg:$0x12] =	wrdreg s7  }
0x7d: {  	[dreg:$0x10] =	wrdreg s6  }
0x7e: {  	s5 =	rddreg [dreg:$0x13]  }
0x7f: {  	s16 =	sld [smem:$0x7F0]  }
0x80: {  	s17 =	rddreg [dreg:$0x6]  }
0x81: {  	s6 =	rddreg [dreg:$0x1e]  }
0x82: {  	s9 =	smov.u32 s22;
	s2 =	sshra.s32 s8, $0x3;
	s8 =	rddreg [dreg:$0x15]  }
0x83: {  	s24 =	smov.u32 s7;
	[dreg:$0x17] =	wrdreg s9  }
0x84: {  	[dreg:$0x14] =	wrdreg s24  }
0x85: {  	s22 =	smulhi.u32 $0x78787879, s6;
	s6 =	rddreg [dreg:$0xe]  }
0x86: {  	s20 =	smov.u32 s17;
	s17 =	sshra.s32 s13, $0x3;
	s13 =	rddreg [dreg:$0x1f]  }
0x87: {  	s14 =	smulhi.u32 $0x78787879, s14;
	[dreg:$0x16] =	wrdreg s20  }
0x88: {  	p0 =	sne.s32 s7, $0x1F0;
	v13 =	vmov s2;
	s2 =	smul.u32 $0x78787879, s0;
	s20 =	rddreg [dreg:$0xf]  }
0x89: {  	s11 =	sshrl.u32 s5, $0x1F;
	s5 =	smulhi.u32 $0x78787879, s13;
	s13 =	sld [smem:$0x7ED]  }
0x8a: {  	s0 =	sshra.s32 s8, $0x3;
	v14 =	vmov s17;
	s17 =	smul.u32 $0x78787879, s3;
	s3 =	sld [smem:$0x7F1]  }
0x8b: {  	s7 =	sshra.s32 s6, $0x1F;
	s24 =	sshrl.u32 s20, $0x1F;
	s20 =	sld [smem:$0x7EE]  }
0x8c: {  	v5 =	vmov s19;
	s19 =	smulhi.u32 $0x78787879, s16;
	s16 =	sshrl.u32 s8, $0x1F;
	s8 =	sshra.s32 s29, $0x3;
	v6 =	vshll.u32 v7, $0x3  }
0x8d: {  	s1 =	smul.u32 $0x78787879, s1;
	v7 =	vsel vm12, s7, v11;
	v11 =	vmov s16;
	s16 =	sshrl.u32 s29, $0x1F;
	v17 =	vmov s8;
	s8 =	rddreg [dreg:$0xc]  }
0x8e: {  	vm11 =	vcmask $0x1310;
	v15 =	vmov s16;
	s16 =	smul.u32 $0x78787879, s25;
	s20 =	sadd.s32 s20, s23;
	s23 =	sld [smem:$0x7EF]  }
0x8f: {  	v9 =	vsel vm11, s24, v9;
	s7 =	simm.s32 $0x0;
	s24 =	sadd.s32 s13, s15;
	s25 =	sld [smem:$0x7F4]  }
0x90: {  	s15 =	sshra.s32 s8, $0x1F;
	s14 =	sadd.s32 s16, s14;
	s16 =	rddreg [dreg:$0x18]  }
0x91: {  	v12 =	vsel vm11, s11, v12;
	s11 =	sadd.s32 s23, s18;
	s18 =	smul.u32 $0x78787879, s4;
	s4 =	sld [smem:$0x7F2]  }
0x92: {  	vm1 =	vcmask $0xB08;
	s19 =	sadd.s32 s3, s19;
	v18 =	vsel vm12, s15, v8;
	s15 =	sshrl.u32 s24, $0x1F;
	v19 =	vld.idx.msk [tilespmem:v6+s7+$0x0], $0xffff;
	s7 =	sld [smem:$0x7F3]  }
0x93: {  	v10 =	vsel vm1, s15, v10;
	s15 =	sshrl.u32 s20, $0x1F;
	s13 =	smulhi.u32 $0x78787879, s25;
	s25 =	rddreg [dreg:$0x1c]  }
0x94: {  	s23 =	smulhi.u32 $0x78787879, s25;
	s25 =	rddreg [dreg:$0x11];
	s22 =	sadd.s32 s4, s22  }
0x95: {  	v16 =	vmov s0;
	s0 =	sadd.s32 s7, s5;
	s5 =	sshrl.u32 s25, $0x1F;
	s25 =	rddreg [dreg:$0x1d]  }
0x96: {  	vm10 =	vcmask $0x1B18;
	v21 =	vsel vm1, s15, v5;
	s4 =	simm.s32 $0x0;
	s7 =	rddreg [dreg:$0xb];
	s15 =	smulhi.u32 $0x78787879, s25  }
0x97: {  	v12 =	vsel vm10, s5, v12;
	s5 =	sshra.s32 s24, $0x3;
	s24 =	sshra.s32 s20, $0x3;
	s20 =	smul.u32 $0x78787879, s12  }
0x98: {  	s25 =	sadd.s32 $0x80, s7;
	s12 =	sand.u32 $0x70, s9;
	s7 =	rddreg [dreg:$0xa]  }
0x99: {  	s9 =	smul.u32 $0x78787879, s26;
	s26 =	sshrl.u32 s19, $0x1F;
	s19 =	sshra.s32 s19, $0x3  }
0x9a: {  	v13 =	vsel vm1, s5, v13;
	v14 =	vsel vm1, s24, v14;
	s5 =	sshra.s32 s11, $0x3;
	s24 =	sand.u32 $0xC00, s25;
	s3 =	sadd.s32 $0x10, s7  }
0x9b: {  	s7 =	sshrl.u32 s22, $0x1F;
	v11 =	vsel vm1, s26, v11;
	s26 =	sadd.s32 s2, s13;
	s2 =	sadd.s32 s17, s23  }
0x9c: {  	s23 =	sshrl.u32 s6, $0x1F;
	v22 =	vsel vm13, s5, v7;
	v7 =	vld [tilespmem:s3+$0x0];
	s24 =	sor.u32 s12, s24;
	s12 =	rddreg [dreg:$0x9]  }
0x9d: {  	s6 =	smulhi.u32 $0x78787879, s16;
	[dreg:$0xb] =	wrdreg s25;
	s5 =	sadd.s32 $0x10, s12  }
0x9e: {  	v16 =	vsel vm1, s19, v16;
	s16 =	simm.s32 $0x0;
	s19 =	sshrl.u32 s14, $0x1F;
	[dreg:$0xa] =	wrdreg s3;
	v8 =	vld [tilespmem:s5+$0x0]  }
0x9f: {  	vm5 =	vcmask $0x2320;
	s3 =	smul.u32 $0x78787879, s10;
	s10 =	rddreg [dreg:$0xd];
	s15 =	sadd.s32 s18, s15  }
0xa0: {  	v20 =	vor.u32 $0x1, v6;
	v15 =	vsel vm1, s7, v15;
	s17 =	sshrl.u32 s2, $0x1F;
	v12 =	vsel vm5, s23, v12;
	s7 =	sshra.s32 s11, $0x1F;
	s23 =	sshrl.u32 s8, $0x1F  }
0xa1: {  	v11 =	vsel vm11, s19, v11;
	s19 =	sshra.s32 s14, $0x3;
	s12 =	smul.u32 $0x78787879, s21;
	s21 =	sshra.s32 s22, $0x3;
	(v2sf) =	vpush v7, $0x7  }
0xa2: {  	s22 =	sshra.s32 s0, $0x3;
	v21 =	vsel vm11, s17, v21;
	s17 =	smulhi.u32 $0x78787879, s28;
	[dreg:$0x6] =	wrdreg s24  }
0xa3: {  	[dreg:$0x9] =	wrdreg s5;
	s5 =	sshrl.u32 s10, $0x1F;
	s10 =	smul.u32 $0x78787879, s30;
	v17 =	vsel vm1, s21, v17;
	(v2sf) =	vpush v8, $0x7  }
0xa4: {  	[tilespmem:s24+$0x680] =	vst v19;
	v18 =	vsel vm13, s22, v18;
	s21 =	sshrl.u32 s26, $0x1F;
	s22 =	rddreg [dreg:$0x1b];
	v9 =	vsel vm10, s5, v9;
	s5 =	smulhi.u32 $0x78787879, s31;
	(v2sf) =	vpush v7, $0x0  }
0xa5: {  	v19 =	vld.idx.msk [tilespmem:v20+s4+$0x0], $0xffff;
	s18 =	smulhi.u32 $0x78787879, s22;
	s4 =	sshra.s32 s26, $0x3;
	s26 =	sshra.s32 s2, $0x3  }
0xa6: {  	v10 =	vsel vm11, s21, v10;
	s21 =	sshrl.u32 s15, $0x1F;
	s22 =	rddreg [dreg:$0x19];
	s9 =	sadd.s32 s9, s17;
	(v2sf) =	vpush v8, $0x0  }
0xa7: {  	v53 =	vor.u32 $0x2, v6;
	v54 =	vsel vm14, s7, v22;
	s6 =	sadd.s32 s12, s6;
	s12 =	sshrl.u32 s11, $0x1F;
	s7 =	smulhi.u32 $0x78787879, s22;
	(v2sf) =	vpush v7, $0x1  }
0xa8: {  	v14 =	vsel vm11, s26, v14;
	s26 =	rddreg [dreg:$0x1a];
	v9 =	vsel vm5, s23, v9;
	s22 =	sshra.s32 s15, $0x3;
	s23 =	sshra.s32 s0, $0x1F  }
0xa9: {  	s13 =	sshra.s32 s9, $0x3;
	s14 =	sshrl.u32 s6, $0x1F;
	s0 =	sshrl.u32 s0, $0x1F  }
0xaa: {  	v15 =	vsel vm11, s21, v15;
	s17 =	sshrl.u32 s9, $0x1F;
	s2 =	smulhi.u32 $0x78787879, s26;
	s21 =	sadd.s32 s20, s5;
	(v2sf) =	vpush v8, $0x1  }
0xab: {  	s3 =	sadd.s32 s3, s18;
	v17 =	vsel vm11, s22, v17;
	s18 =	simm.s32 $0x0;
	s22 =	rddreg [dreg:$0x7];
	[tilespmem:s24+$0x700] =	vst v19;
	(v2sf) =	vpush v7, $0x2  }
0xac: {  	v18 =	vsel vm14, s23, v18;
	s23 =	rddreg [dreg:$0x8];
	s26 =	sshrl.u32 s21, $0x1F;
	s7 =	sadd.s32 s10, s7;
	v19 =	vld.idx.msk [tilespmem:v53+s16+$0x0], $0xffff  }
0xad: {  	v55 =	vor.u32 $0x3, v6;
	s10 =	sshrl.u32 s3, $0x1F;
	s3 =	sshra.s32 s3, $0x3;
	s11 =	sshra.s32 s23, $0x3;
	(v2sf) =	vpush v8, $0x2  }
0xae: {  	s1 =	sadd.s32 s1, s2;
	s2 =	sshra.s32 s21, $0x3;
	s15 =	sshrl.u32 s7, $0x1F  }
0xaf: {  	v16 =	vsel vm11, s19, v16;
	v14 =	vsel vm10, s3, v14;
	s19 =	sshra.s32 s7, $0x3;
	s21 =	sshra.s32 s9, $0x1F;
	s3 =	sshrl.u32 s22, $0x1F;
	(v2sf) =	vpush v7, $0x3  }
0xb0: {  	vm4 =	vcmask $0x300;
	vm3 =	vmmov vm12;
	v10 =	vsel vm10, s26, v10;
	s9 =	sshra.s32 s22, $0x3;
	s20 =	sshra.s32 s1, $0x3;
	s26 =	spop (v2sf)  }
0xb1: {  	v58 =	vor.u32 $0x4, v6;
	v20 =	vsel vm6, s13, v54;
	s8 =	sshrl.u32 s1, $0x1F;
	[tilespmem:s24+$0x780] =	vst v19;
	(v2sf) =	vpush v8, $0x3;
	s13 =	smulhi.u32 $0x78787879, s26;
	s5 =	sshra.s32 s26, $0x1F  }
0xb2: {  	v12 =	vsel vm13, s12, v12;
	v11 =	vsel vm10, s14, v11;
	v57 =	vld.idx.msk [tilespmem:v55+s16+$0x0], $0xffff;
	s16 =	sshra.s32 s6, $0x3;
	(v2sf) =	vpush v7, $0x4;
	s14 =	spop (v2sf);
	s5 =	smul.u32 $0x78787879, s5  }
0xb3: {  	v56 =	vsel vm10, s10, v21;
	v15 =	vsel vm10, s15, v15;
	v16 =	vsel vm10, s16, v16;
	s15 =	sshra.s32 s14, $0x1F;
	s16 =	spop (v2sf);
	s10 =	smulhi.u32 $0x78787879, s14  }
0xb4: {  	v12 =	vsel vm6, s17, v12;
	s1 =	sshra.s32 s1, $0x1F;
	v17 =	vsel vm10, s19, v17;
	(v2sf) =	vpush v8, $0x4;
	s17 =	sshra.s32 s16, $0x1F;
	s19 =	smul.u32 $0x78787879, s15  }
0xb5: {  	vm12 =	vcmask $0x704;
	v13 =	vsel vm11, s4, v13;
	v18 =	vsel vm6, s20, v18;
	s20 =	spop (v2sf);
	s22 =	sadd.s32 s5, s13;
	s16 =	smulhi.u32 $0x78787879, s16  }
0xb6: {  	v20 =	vsel vm15, s21, v20;
	v18 =	vsel vm15, s1, v18;
	(v2sf) =	vpush v7, $0xC;
	s21 =	sshra.s32 s20, $0x1F;
	s1 =	spop (v2sf);
	s6 =	smul.u32 $0x78787879, s17  }
0xb7: {  	v9 =	vsel vm13, s0, v9;
	v13 =	vsel vm10, s2, v13;
	s2 =	sshrl.u32 s23, $0x1F;
	(v2sf) =	vpush v7, $0x8;
	[dreg:$0x7] =	wrdreg s22;
	s23 =	smul.u32 $0x78787879, s21  }
0xb8: {  	v10 =	vcombine.low v56, v10;
	v12 =	vsel vm7, s3, v12;
	(v2sf) =	vpush v8, $0xC;
	s26 =	sshra.s32 s22, $0x1F;
	s15 =	sadd.s32 s19, s10;
	s19 =	smulhi.u32 $0x78787879, s20  }
0xb9: {  	v9 =	vsel vm6, s8, v9;
	v60 =	vsel vm7, s11, v18;
	(v2sf) =	vpush v8, $0x8;
	s13 =	spop (v2sf);
	s17 =	sshra.s32 s1, $0x1F;
	s11 =	smulhi.u32 $0x78787879, s1  }
0xba: {  	v13 =	vcombine.low v14, v13;
	v11 =	vcombine.low v15, v11;
	(v2sf) =	vpush v7, $0xD;
	s4 =	spop (v2sf);
	s21 =	sshra.s32 s13, $0x1F;
	[dreg:$0x8] =	wrdreg s15  }
0xbb: {  	v59 =	vsel vm7, s9, v20;
	v12 =	vperm.xlane v12, v1;
	v9 =	vsel vm7, s2, v9;
	s12 =	sshra.s32 s15, $0x1F;
	s20 =	sadd.s32 s6, s16;
	s9 =	smul.u32 $0x78787879, s17  }
0xbc: {  	v10 =	vperm.xlane v10, v0;
	v9 =	vperm.xlane v9, v1;
	(v2sf) =	vpush v7, $0x9;
	s16 =	smulhi.u32 $0x78787879, s13;
	s5 =	spop (v2sf);
	s15 =	sadd.s32 s23, s19  }
0xbd: {  	v11 =	vperm.xlane v11, v0;
	(v2sf) =	vpush v7, $0x5;
	v62 =	vmov s12;
	s0 =	sshra.s32 s20, $0x3;
	s14 =	smul.u32 $0x78787879, s21;
	s12 =	sshra.s32 s4, $0x1F  }
0xbe: {  	v15 =	vor.u32 $0x5, v6;
	v13 =	vperm.xlane v13, v0;
	v14 =	vcombine.low v17, v16;
	s21 =	sshra.s32 s20, $0x1F;
	s4 =	smulhi.u32 $0x78787879, s4;
	s2 =	spop (v2sf)  }
0xbf: {  	v9 =	vsel vm8, v9, v11;
	v16 =	vperm.xlane v59, v1;
	(v2sf) =	vpush v8, $0xD;
	s8 =	sshra.s32 s15, $0x3;
	s19 =	sshra.s32 s5, $0x1F;
	s6 =	smul.u32 $0x78787879, s12  }
0xc0: {  	v17 =	vperm.xlane v60, v1;
	v14 =	vperm.xlane v14, v0;
	[tilespmem:s24+$0x800] =	vst v57;
	v61 =	vmov s26;
	s26 =	sshra.s32 s15, $0x1F;
	s5 =	smulhi.u32 $0x78787879, s5;
	s3 =	spop (v2sf)  }
0xc1: {  	v21 =	vld.idx.msk [tilespmem:v58+s18+$0x0], $0xffff;
	(v2sf) =	vpush v8, $0x9;
	v18 =	vsel vm4, s0, v61;
	v19 =	vsel vm4, s8, v62;
	s0 =	sadd.s32 s14, s16;
	s14 =	smul.u32 $0x78787879, s19;
	s23 =	spop (v2sf)  }
0xc2: {  	v11 =	vsel vm8, v17, v14;
	(v2sf) =	vpush v8, $0x5;
	v14 =	vsel vm12, s26, v19;
	[smem:$0x7E8] =	sst s0;
	s26 =	sshra.s32 s3, $0x1F;
	s3 =	smulhi.u32 $0x78787879, s3  }
0xc3: {  	v10 =	vsel vm8, v12, v10;
	s22 =	spop (v2sf);
	s13 =	sadd.s32 s14, s5;
	s5 =	smul.u32 $0x78787879, s26  }
0xc4: {  	v12 =	vsel vm8, v16, v13;
	(v2sf) =	vpush v7, $0xE;
	v13 =	vsel vm12, s21, v18;
	s21 =	sshra.s32 s2, $0x1F;
	s26 =	smulhi.u32 $0x78787879, s2;
	s2 =	rddreg [dreg:$0x17]  }
0xc5: {  	(v2sf) =	vpush v7, $0xA;
	s8 =	sshra.s32 s23, $0x1F;
	s23 =	smulhi.u32 $0x78787879, s23;
	s17 =	spop (v2sf)  }
0xc6: {  	[tilespmem:s24+$0x880] =	vst v21;
	(v2sf) =	vpush v8, $0xE;
	[dreg:$0xf] =	wrdreg s13;
	s1 =	spop (v2sf)  }
0xc7: {  	v15 =	vld.idx.msk [tilespmem:v15+s18+$0x0], $0xffff;
	s30 =	sor.u32 s25, s2;
	s25 =	sadd.s32 s5, s3;
	s28 =	spop (v2sf)  }
0xc8: {  	v63 =	vor.u32 $0x6, v6;
	(v2sf) =	vpush v8, $0xA;
	s16 =	sshra.s32 s0, $0x3;
	[dreg:$0xd] =	wrdreg s25;
	s10 =	spop (v2sf)  }
0xc9: {  	(v2sf) =	vpush v7, $0xF;
	s5 =	sshra.s32 s1, $0x1F;
	[smem:$0x7E3] =	sst s10;
	s31 =	spop (v2sf)  }
0xca: {  	s5 =	smul.u32 $0x78787879, s5;
	s10 =	sadd.s32 s9, s11;
	[smem:$0x7EB] =	sst s31  }
0xcb: {  	(v2sf) =	vpush v7, $0xB;
	s11 =	sshra.s32 s10, $0x3;
	[smem:$0x7E7] =	sst s10;
	s12 =	spop (v2sf)  }
0xcc: {  	v5 =	vimm.s32 $0x0;
	vm0 =	vgt.s32 v7, $0xFFFFFFFF;
	[tilespmem:s24+$0x900] =	vst v15;
	(v2sf) =	vpush v7, $0x6;
	[smem:$0x7E4] =	sst s12;
	s19 =	spop (v2sf);
	s12 =	sshra.s32 s0, $0x1F  }
0xcd: {  	v5 =	vsel vm0, $0xFFFFFFFF, v5;
	v6 =	vor.u32 $0x7, v6;
	v15 =	vld.idx.msk [tilespmem:v63+s18+$0x0], $0xffff;
	s0 =	sadd.s32 s6, s4;
	s4 =	smul.u32 $0x78787879, s21;
	[smem:$0x7E5] =	sst s19  }
0xce: {  	v10 =	vadd.s32 v10, v12;
	v14 =	vsel vm1, s16, v14;
	(v2sf) =	vpush v8, $0xF;
	s29 =	spop (v2sf);
	s16 =	sshra.s32 s0, $0x3;
	[dreg:$0x13] =	wrdreg s0  }
0xcf: {  	[tilespmem:$0x1FFE0] =	vst v5;
	v5 =	vsel vm0, $0x3F800000, v2;
	v12 =	vmul.u32 $0xFFFFFFEF, v10;
	(v2sf) =	vpush v8, $0xB;
	s9 =	sshra.s32 s0, $0x1F;
	s0 =	sadd.s32 s4, s26;
	s4 =	sld [smem:$0x7E3]  }
0xd0: {  	v9 =	vadd.s32 v9, v11;
	(v2sf) =	vpush v8, $0x6;
	v11 =	vsel vm1, s11, v13;
	s11 =	sshra.s32 s10, $0x1F;
	s19 =	spop (v2sf);
	[smem:$0x7F0] =	sst s29  }
0xd1: {  	vm0 =	vmmov vm15;
	vm12 =	vlt.s32 v10, $0xA;
	v13 =	vmul.u32 $0xFFFFFFEF, v9;
	s26 =	sshra.s32 s28, $0x1F;
	s10 =	spop (v2sf);
	[dreg:$0x1e] =	wrdreg s19  }
0xd2: {  	vm15 =	vcmask $0xF0C;
	v12 =	vadd.s32 v4, v12;
	v4 =	vmovc v7;
	s20 =	sshrl.u32 s20, $0x1F;
	v7 =	vnsel vm12, $0xA, v10;
	[tilespmem:s24+$0x980] =	vst v15;
	s26 =	smul.u32 $0x78787879, s26;
	[dreg:$0x11] =	wrdreg s0  }
0xd3: {  	v6 =	vld.idx.msk [tilespmem:v6+s18+$0x0], $0xffff;
	s18 =	sshra.s32 s13, $0x3;
	v10 =	vsel vm15, s12, v14;
	v13 =	vadd.s32 v3, v13;
	v3 =	vmovc v8;
	v8 =	vsel vm15, s11, v11;
	s12 =	spop (v2sf);
	[dreg:$0x1f] =	wrdreg s10  }
0xd4: {  	v8 =	vsel vm11, s16, v8;
	s16 =	sshra.s32 s13, $0x1F;
	s14 =	spop (v2sf);
	[smem:$0x7F4] =	sst s12  }
0xd5: {  	vm2 =	vmmov vm9;
	s13 =	sshra.s32 s17, $0x1F;
	s21 =	spop (v2sf);
	[dreg:$0x1c] =	wrdreg s14  }
0xd6: {  	vm9 =	vmmov vm14;
	vm14 =	vlt.s32 v12, $0xE;
	s2 =	smov.u32 s28;
	vm12 =	vlt.s32 v13, $0xE;
	s28 =	smul.u32 $0x78787879, s13;
	[smem:$0x7E6] =	sst s21  }
0xd7: {  	v11 =	vnsel vm14, $0xE, v12;
	v12 =	vnsel vm12, $0xE, v13;
	v13 =	vld [tilespmem:$0x1FFF0];
	s11 =	spop (v2sf);
	s21 =	sshra.s32 s22, $0x1F;
	s22 =	smulhi.u32 $0x78787879, s22  }
0xd8: {  	s3 =	sshra.s32 s14, $0x1F;
	s6 =	spop (v2sf);
	s14 =	sld [smem:$0x7E6]  }
0xd9: {  	s7 =	sor.u32 $0x380, s30;
	v7 =	vcvt.s32.f32 v7;
	v11 =	vcvt.s32.f32 v11;
	s21 =	smul.u32 $0x78787879, s21;
	[dreg:$0x1d] =	wrdreg s11  }
0xda: {  	vm5 =	vmmov vm1;
	v10 =	vsel vm11, s18, v10;
	s29 =	sshra.s32 s29, $0x1F;
	v12 =	vcvt.s32.f32 v12;
	[smem:$0x7E9] =	sst s6;
	s18 =	spop (v2sf)  }
0xdb: {  	v7 =	vmul.f32 $1.000000010e-01, v7;
	vm15 =	vmmov vm0;
	v11 =	vmul.f32 $7.142857460e-02, v11;
	s30 =	sshra.s32 s4, $0x1F;
	[dreg:$0x1b] =	wrdreg s18;
	s6 =	spop (v2sf)  }
0xdc: {  	vm12 =	vcmask $0x1714;
	s30 =	smul.u32 $0x78787879, s30;
	v12 =	vmul.f32 $7.142857460e-02, v12;
	vm0 =	vnez.u8 v13;
	[smem:$0x7EA] =	sst s6  }
0xdd: {  	vm1 =	vmmov vm8;
	v8 =	vsel vm12, s9, v8;
	v11 =	vnsel vm0, $0x0, v11;
	s21 =	sadd.s32 s21, s22;
	s6 =	rddreg [dreg:$0x16];
	s9 =	spop (v2sf)  }
0xde: {  	vm8 =	vmmov vm7;
	s13 =	sshrl.u32 s15, $0x1F;
	v10 =	vsel vm12, s16, v10;
	[dreg:$0xc] =	wrdreg s21;
	[tilespmem:s6+$0x1680] =	vst v11;
	v11 =	vnsel vm2, $0x0, v12;
	s16 =	spop (v2sf)  }
0xdf: {  	vm7 =	vmmov vm6;
	vm14 =	vmmov vm9;
	vm9 =	vgt.s32 v3, $0xFFFFFFFF;
	s15 =	sshra.s32 s31, $0x1F;
	[dreg:$0x18] =	wrdreg s9;
	[tilespmem:s6+$0x1800] =	vst v11;
	s18 =	spop (v2sf)  }
0xe0: {  	vm6 =	vmmov vm13;
	vm13 =	vlt.s32 v9, $0xA;
	[dreg:$0x19] =	wrdreg s16;
	[tilespmem:s7+$0x680] =	vst v6;
	s7 =	smul.u32 $0x78787879, s8;
	v6 =	vsel vm9, $0x3F800000, v2;
	s8 =	sshra.s32 s0, $0x3  }
0xe1: {  	v9 =	vnsel vm13, $0xA, v9;
	v7 =	vnsel vm0, $0x0, v7;
	s9 =	smov.u32 s6;
	[dreg:$0x1a] =	wrdreg s18;
	[tilespmem:s24+$0x1900] =	vst v6;
	v6 =	vsel vm10, s8, v8;
	s8 =	sshra.s32 s19, $0x1F  }
0xe2: {  	v9 =	vcvt.s32.f32 v9;
	s19 =	sld [smem:$0x7E7];
	[tilespmem:s6+$0x1700] =	vst v7;
	v7 =	vmov s13;
	s13 =	sshra.s32 s10, $0x1F;
	s10 =	smulhi.u32 $0x78787879, s1  }
0xe3: {  	vm11 =	vcmask $0x1F1C;
	s0 =	sshra.s32 s0, $0x1F;
	s1 =	smulhi.u32 $0x78787879, s2;
	s2 =	sld [smem:$0x7EA]  }
0xe4: {  	v9 =	vmul.f32 $1.000000010e-01, v9;
	s23 =	sadd.s32 s7, s23;
	v6 =	vsel vm11, s0, v6;
	s0 =	sshra.s32 s12, $0x1F;
	[tilespmem:s24+$0x1780] =	vst v5;
	v5 =	vmov s20;
	s20 =	sld [smem:$0x7E4]  }
0xe5: {  	s12 =	smulhi.u32 $0x78787879, s4;
	s24 =	sshra.s32 s25, $0x3;
	[dreg:$0xe] =	wrdreg s23  }
0xe6: {  	v9 =	vnsel vm2, $0x0, v9;
	v11 =	vld [tilespmem:$0x1FFE0];
	s7 =	sshra.s32 s23, $0x3;
	s23 =	sshra.s32 s21, $0x3;
	s21 =	sld [smem:$0x7E9]  }
0xe7: {  	[tilespmem:s9+$0x1880] =	vst v9;
	v5 =	vnsel vm4, $0x0, v5;
	v8 =	vsel vm10, s24, v10;
	s24 =	sld [smem:$0x7E5];
	s9 =	smulhi.u32 $0x78787879, s17;
	s22 =	sshrl.u32 s19, $0x1F  }
0xe8: {  	s17 =	smul.u32 $0x78787879, s15;
	s1 =	sadd.s32 s26, s1;
	v12 =	vsel vm5, s22, v5;
	s22 =	rddreg [dreg:$0x14]  }
0xe9: {  	s4 =	sshra.s32 s11, $0x1F;
	s25 =	sshra.s32 s25, $0x1F;
	[dreg:$0x15] =	wrdreg s1  }
0xea: {  	vm13 =	vmmov vm6;
	vm6 =	vmmov vm7;
	vm7 =	vmmov vm8;
	s5 =	sadd.s32 s5, s10;
	s26 =	smul.u32 $0x78787879, s8;
	[smem:$0x7ED] =	sst s17  }
0xeb: {  	vm8 =	vmmov vm1;
	vm1 =	vnez.u8 v11;
	s15 =	smul.u32 $0x78787879, s13;
	v8 =	vsel vm11, s25, v8;
	s25 =	sshra.s32 s14, $0x1F;
	s17 =	sld [smem:$0x7E8]  }
0xec: {  	v11 =	vimm.s32 $0x0;
	vm0 =	vmmov vm1;
	s13 =	smov.u32 s5;
	s1 =	sshra.s32 s18, $0x1F;
	[smem:$0x7F2] =	sst s26  }
0xed: {  	v11 =	vsel vm0, $0xFFFFFFFF, v11;
	s31 =	sshra.s32 s20, $0x1F;
	vm0 =	vcmask $0x2320;
	s9 =	sadd.s32 s28, s9;
	[smem:$0x7F3] =	sst s15  }
0xee: {  	s28 =	smov.u32 s2;
	[tilespmem:$0x1FFF0] =	vst v11;
	s11 =	smul.u32 $0x78787879, s31;
	v11 =	vsel vm0, s7, v6;
	s7 =	rddreg [dreg:$0x12]  }
0xef: {  	s26 =	sshra.s32 s2, $0x1F;
	s6 =	sshra.s32 s24, $0x1F;
	v8 =	vsel vm0, s23, v8;
	s23 =	rddreg [dreg:$0x1b]  }
0xf0: {  	s31 =	smov.u32 s21;
	s18 =	smulhi.u32 $0x78787879, s24;
	[smem:$0x7EE] =	sst s11  }
0xf1: {  	s19 =	sshrl.u32 s17, $0x1F;
	s17 =	smul.u32 $0x78787879, s6;
	s6 =	rddreg [dreg:$0x10]  }
0xf2: {  	s10 =	sshra.s32 s23, $0x1F;
	s23 =	smulhi.u32 $0x78787879, s20;
	s11 =	rddreg [dreg:$0x18]  }
.Ltmp0:
0xf3: {  	v7 =	vnsel vm4, $0x0, v7;
	s8 =	smov.u32 s9;
	[smem:$0x7EF] =	sst s17;
	(pc) =	sbr.rel @p0 .LBB2_2-.Ltmp0, $4  }
0xf4: {  	s7 =	sadd.s32 $0x10, s7;
	v9 =	vsel vm5, s19, v7;
	s19 =	smul.u32 $0x78787879, s29;
	s17 =	sld [smem:$0x7EB]  }
0xf5: {  	s29 =	sadd.s32 s30, s12;
	s12 =	sshra.s32 s21, $0x1F;
	s21 =	sshra.s32 s11, $0x1F  }
0xf6: {  	s6 =	sadd.s32 $0x10, s6;
	[smem:$0x7F1] =	sst s19;
	s19 =	sshrl.u32 s9, $0x1F  }
0xf7: {  	vm12 =	vmmov vm3;
	s30 =	sshra.s32 s16, $0x1F;
	v7 =	vld [tilespmem:s6+$0x0];
	v10 =	vmov s19;
	s19 =	sshrl.u32 s13, $0x1F;
	s15 =	smulhi.u32 $0x78787879, s17  }
0xf8: {  	s5 =	sld [smem:$0x7F0]  }
0xf9: {  	s24 =	rddreg [dreg:$0x1f]  }
0xfa: {  	s20 =	rddreg [dreg:$0xa];
	s2 =	smulhi.u32 $0x78787879, s24  }
0xfb: {  	s11 =	smulhi.u32 $0x78787879, s5;
	s5 =	sadd.s32 $0x10, s20  }
0xfc: {  	v6 =	vld [tilespmem:s5+$0x0];
	[smem:$0x79B] =	sst s2  }
0xfd: {  	s9 =	smul.u32 $0x78787879, s25;
	s2 =	rddreg [dreg:$0x9]  }
0xfe: {  	s16 =	smul.u32 $0x78787879, s4;
	s5 =	sadd.s32 $0x10, s2  }
0xff: {  	s17 =	rddreg [dreg:$0x1e];
	s14 =	smulhi.u32 $0x78787879, s14;
	v5 =	vld [tilespmem:s5+$0x0]  }
0x100: {  	s6 =	sld [smem:$0x7F4];
	s24 =	smul.u32 $0x78787879, s3  }
0x101: {  	s7 =	rddreg [dreg:$0x1c];
	s3 =	smul.u32 $0x78787879, s21  }
0x102: {  	s25 =	rddreg [dreg:$0x1d];
	s21 =	smulhi.u32 $0x78787879, s28;
	(v2sf) =	vpush v6, $0x7  }
0x103: {  	s4 =	rddreg [dreg:$0x1b];
	s20 =	smul.u32 $0x78787879, s0  }
0x104: {  	v13 =	vmov s19;
	s19 =	rddreg [dreg:$0xd];
	s0 =	smulhi.u32 $0x78787879, s6;
	(v2sf) =	vpush v5, $0x7  }
0x105: {  	s6 =	rddreg [dreg:$0x19];
	s2 =	smul.u32 $0x78787879, s10;
	(v2sf) =	vpush v6, $0x0  }
0x106: {  	s10 =	smul.u32 $0x78787879, s26;
	[smem:$0x79C] =	sst s0  }
0x107: {  	s26 =	smul.u32 $0x78787879, s30;
	[smem:$0x79E] =	sst s14;
	(v2sf) =	vpush v5, $0x0  }
0x108: {  	s30 =	smul.u32 $0x78787879, s1;
	[smem:$0x7A1] =	sst s3  }
0x109: {  	s0 =	smulhi.u32 $0x78787879, s7;
	s5 =	rddreg [dreg:$0x18];
	(v2sf) =	vpush v6, $0x1  }
0x10a: {  	[smem:$0x7C0] =	sst s8;
	s1 =	smulhi.u32 $0x78787879, s5  }
0x10b: {  	[smem:$0x79D] =	sst s0;
	s0 =	smulhi.u32 $0x78787879, s25;
	(v2sf) =	vpush v5, $0x1  }
0x10c: {  	s25 =	smul.u32 $0x78787879, s12;
	s12 =	rddreg [dreg:$0x1a]  }
0x10d: {  	[smem:$0x7A2] =	sst s1;
	s1 =	smulhi.u32 $0x78787879, s6;
	(v2sf) =	vpush v6, $0x2  }
0x10e: {  	[smem:$0x79F] =	sst s0;
	s0 =	smulhi.u32 $0x78787879, s31  }
0x10f: {  	[smem:$0x7A3] =	sst s1;
	s1 =	smulhi.u32 $0x78787879, s12  }
0x110: {  	s7 =	smulhi.u32 $0x78787879, s4;
	[smem:$0x7A0] =	sst s2;
	(v2sf) =	vpush v5, $0x2  }
0x111: {  	s0 =	sadd.s32 s25, s0;
	[smem:$0x7A4] =	sst s1;
	s14 =	spop (v2sf)  }
0x112: {  	[smem:$0x7CB] =	sst s0;
	s28 =	smulhi.u32 $0x78787879, s14;
	s1 =	sshra.s32 s14, $0x1F  }
0x113: {  	s31 =	spop (v2sf);
	s1 =	smul.u32 $0x78787879, s1  }
0x114: {  	[smem:$0x7A5] =	sst s28;
	s3 =	spop (v2sf)  }
0x115: {  	s2 =	sshra.s32 s31, $0x1F;
	s4 =	smulhi.u32 $0x78787879, s31;
	[smem:$0x7A6] =	sst s1  }
0x116: {  	s1 =	smul.u32 $0x78787879, s2;
	s5 =	sshra.s32 s3, $0x1F;
	s6 =	spop (v2sf)  }
0x117: {  	[smem:$0x7A8] =	sst s4;
	s12 =	smul.u32 $0x78787879, s5;
	s14 =	sshra.s32 s6, $0x1F  }
0x118: {  	s31 =	spop (v2sf);
	s28 =	smul.u32 $0x78787879, s14  }
0x119: {  	(v2sf) =	vpush v6, $0x3;
	[smem:$0x7A7] =	sst s1;
	s1 =	smulhi.u32 $0x78787879, s3  }
0x11a: {  	s3 =	smulhi.u32 $0x78787879, s6;
	s4 =	spop (v2sf);
	s6 =	sshra.s32 s31, $0x1F  }
0x11b: {  	[smem:$0x7A9] =	sst s12;
	s6 =	smul.u32 $0x78787879, s6  }
0x11c: {  	s14 =	spop (v2sf);
	[smem:$0x7AB] =	sst s28  }
0x11d: {  	(v2sf) =	vpush v5, $0x3;
	[smem:$0x7AA] =	sst s1;
	s1 =	smulhi.u32 $0x78787879, s31  }
0x11e: {  	[smem:$0x7AC] =	sst s3;
	s28 =	smulhi.u32 $0x78787879, s4  }
0x11f: {  	s12 =	sshra.s32 s4, $0x1F;
	s31 =	spop (v2sf);
	[smem:$0x7AD] =	sst s6  }
0x120: {  	s2 =	sshra.s32 s14, $0x1F;
	s6 =	smul.u32 $0x78787879, s12;
	[smem:$0x7AE] =	sst s1  }
0x121: {  	s3 =	smul.u32 $0x78787879, s2;
	s4 =	sshra.s32 s31, $0x1F;
	[smem:$0x7AF] =	sst s28  }
0x122: {  	(v2sf) =	vpush v6, $0x4;
	s12 =	smul.u32 $0x78787879, s4;
	s4 =	sld [smem:$0x7ED]  }
0x123: {  	(v2sf) =	vpush v5, $0x4;
	s1 =	smulhi.u32 $0x78787879, s14;
	[smem:$0x7B0] =	sst s3  }
0x124: {  	s14 =	smulhi.u32 $0x78787879, s31;
	[smem:$0x7B2] =	sst s12  }
0x125: {  	[smem:$0x7B1] =	sst s1  }
0x126: {  	[smem:$0x7B3] =	sst s14  }
0x127: {  	s14 =	sld [smem:$0x7EE]  }
0x128: {  	s1 =	spop (v2sf);
	s2 =	sadd.s32 s4, s15;
	s4 =	sld [smem:$0x7F1]  }
0x129: {  	(v2sf) =	vpush v6, $0xC;
	s28 =	sshra.s32 s1, $0x1F;
	s1 =	smulhi.u32 $0x78787879, s1;
	[smem:$0x7C1] =	sst s2  }
0x12a: {  	s31 =	smul.u32 $0x78787879, s28;
	s28 =	sld [smem:$0x7EF]  }
0x12b: {  	[smem:$0x7B5] =	sst s1  }
0x12c: {  	s5 =	spop (v2sf);
	s2 =	sadd.s32 s14, s23;
	[smem:$0x7B4] =	sst s31  }
0x12d: {  	[smem:$0x7C2] =	sst s2;
	s15 =	smulhi.u32 $0x78787879, s5  }
0x12e: {  	s2 =	sadd.s32 s28, s18;
	s28 =	rddreg [dreg:$0xb]  }
0x12f: {  	s3 =	sshra.s32 s5, $0x1F;
	[smem:$0x7B7] =	sst s15  }
0x130: {  	(v2sf) =	vpush v6, $0x8;
	s12 =	smul.u32 $0x78787879, s3;
	[smem:$0x7C4] =	sst s2  }
0x131: {  	s1 =	spop (v2sf);
	s15 =	sld [smem:$0x7F3]  }
0x132: {  	s2 =	sadd.s32 s4, s11;
	[smem:$0x7B6] =	sst s12;
	s5 =	spop (v2sf)  }
0x133: {  	(v2sf) =	vpush v5, $0xC;
	s23 =	sshra.s32 s1, $0x1F;
	[smem:$0x7C3] =	sst s2;
	s1 =	smulhi.u32 $0x78787879, s1  }
0x134: {  	(v2sf) =	vpush v5, $0x8;
	s12 =	sld [smem:$0x7F2];
	s31 =	smul.u32 $0x78787879, s23  }
0x135: {  	s3 =	sshra.s32 s5, $0x1F;
	s18 =	smulhi.u32 $0x78787879, s5;
	s5 =	sld [smem:$0x7A0]  }
0x136: {  	s17 =	smulhi.u32 $0x78787879, s17;
	[smem:$0x7B9] =	sst s1  }
0x137: {  	[smem:$0x7B8] =	sst s31  }
0x138: {  	s11 =	spop (v2sf);
	s2 =	sadd.s32 s12, s17;
	s17 =	sld [smem:$0x79B]  }
0x139: {  	s14 =	smul.u32 $0x78787879, s3;
	s3 =	sadd.s32 $0x80, s28;
	[smem:$0x7BB] =	sst s18  }
0x13a: {  	s23 =	sshra.s32 s11, $0x1F;
	[smem:$0x7E2] =	sst s3  }
0x13b: {  	s1 =	smul.u32 $0x78787879, s23;
	s23 =	sld [smem:$0x79D]  }
0x13c: {  	s4 =	sand.u32 $0xC00, s3;
	s3 =	sld [smem:$0x79E]  }
0x13d: {  	[smem:$0x7C5] =	sst s2  }
0x13e: {  	[smem:$0x7BA] =	sst s14  }
0x13f: {  	(v2sf) =	vpush v6, $0xD;
	s14 =	spop (v2sf);
	s0 =	sadd.s32 s5, s7;
	s5 =	sld [smem:$0x7AF]  }
0x140: {  	(v2sf) =	vpush v6, $0x9;
	[smem:$0x7BC] =	sst s1;
	s31 =	sshra.s32 s14, $0x1F  }
0x141: {  	[smem:$0x7CC] =	sst s0;
	s2 =	sadd.s32 s15, s17;
	s1 =	smul.u32 $0x78787879, s31  }
0x142: {  	s17 =	spop (v2sf);
	[smem:$0x7C7] =	sst s2  }
0x143: {  	(v2sf) =	vpush v6, $0x5;
	s2 =	sand.u32 $0x70, s22;
	s28 =	spop (v2sf);
	s22 =	sld [smem:$0x79C]  }
0x144: {  	s8 =	sshra.s32 s17, $0x1F;
	[smem:$0x7BD] =	sst s1;
	s31 =	sor.u32 s2, s4  }
0x145: {  	(v2sf) =	vpush v5, $0xD;
	s15 =	smul.u32 $0x78787879, s8;
	s18 =	sshra.s32 s28, $0x1F;
	s4 =	sld [smem:$0x79F]  }
0x146: {  	(v2sf) =	vpush v5, $0x9;
	s8 =	sadd.s32 s10, s21;
	s21 =	smulhi.u32 $0x78787879, s28;
	s28 =	sld [smem:$0x7A2]  }
0x147: {  	(v2sf) =	vpush v5, $0x5;
	[smem:$0x7CE] =	sst s8  }
0x148: {  	s8 =	sld [smem:$0x7A3]  }
0x149: {  	[smem:$0x7BE] =	sst s15  }
0x14a: {  	s1 =	smul.u32 $0x78787879, s18;
	s2 =	sadd.s32 s20, s22;
	s22 =	sld [smem:$0x7A1]  }
0x14b: {  	[smem:$0x7C6] =	sst s2  }
0x14c: {  	s25 =	smulhi.u32 $0x78787879, s17;
	s2 =	sadd.s32 s24, s23;
	[smem:$0x7BF] =	sst s1  }
0x14d: {  	s1 =	sadd.s32 s9, s3;
	s24 =	smulhi.u32 $0x78787879, s11;
	[smem:$0x7C8] =	sst s2  }
0x14e: {  	[smem:$0x7C9] =	sst s1;
	s1 =	sadd.s32 s16, s4;
	s4 =	spop (v2sf)  }
0x14f: {  	[smem:$0x7CA] =	sst s1;
	s10 =	spop (v2sf)  }
0x150: {  	s9 =	sshra.s32 s4, $0x1F;
	s3 =	sadd.s32 s22, s28;
	s28 =	sld [smem:$0x7A7]  }
0x151: {  	s20 =	smul.u32 $0x78787879, s9;
	[smem:$0x7CD] =	sst s3  }
0x152: {  	s17 =	spop (v2sf);
	s11 =	sshra.s32 s10, $0x1F;
	s9 =	sld [smem:$0x7A4]  }
0x153: {  	s3 =	sadd.s32 s26, s8;
	s8 =	sld [smem:$0x7AA];
	s16 =	smul.u32 $0x78787879, s11  }
0x154: {  	s2 =	spop (v2sf);
	[smem:$0x7CF] =	sst s3  }
0x155: {  	s12 =	sshra.s32 s17, $0x1F;
	s11 =	sld [smem:$0x7A5];
	s0 =	spop (v2sf)  }
0x156: {  	s15 =	smul.u32 $0x78787879, s12;
	s1 =	spop (v2sf);
	s18 =	sshra.s32 s0, $0x1F  }
0x157: {  	s22 =	smov.u32 s13;
	s13 =	smul.u32 $0x78787879, s18;
	s18 =	sld [smem:$0x7A6]  }
0x158: {  	s26 =	sadd.s32 s30, s9;
	s30 =	sld [smem:$0x7A8];
	s7 =	sshra.s32 s1, $0x1F  }
0x159: {  	s12 =	smul.u32 $0x78787879, s7;
	s7 =	sld [smem:$0x7A9]  }
0x15a: {  	s3 =	sadd.s32 s18, s11;
	s11 =	sld [smem:$0x7AB]  }
0x15b: {  	s18 =	sld [smem:$0x7AC]  }
0x15c: {  	(v2sf) =	vpush v6, $0xE;
	[smem:$0x7D0] =	sst s3  }
0x15d: {  	(v2sf) =	vpush v6, $0xA;
	s3 =	sadd.s32 s28, s30;
	s28 =	sld [smem:$0x7AD]  }
0x15e: {  	s30 =	sld [smem:$0x7AE]  }
0x15f: {  	[smem:$0x7D1] =	sst s3  }
0x160: {  	s3 =	sadd.s32 s7, s8;
	s7 =	sld [smem:$0x7B0]  }
0x161: {  	s8 =	sld [smem:$0x7B1]  }
0x162: {  	[smem:$0x7D2] =	sst s3  }
0x163: {  	s3 =	sadd.s32 s11, s18;
	s11 =	smulhi.u32 $0x78787879, s17;
	s17 =	sld [smem:$0x7B2]  }
0x164: {  	s18 =	sld [smem:$0x7B3]  }
0x165: {  	[smem:$0x7D3] =	sst s3  }
0x166: {  	s3 =	sadd.s32 s28, s30;
	s28 =	sld [smem:$0x7B4]  }
0x167: {  	s23 =	smulhi.u32 $0x78787879, s14;
	s30 =	sld [smem:$0x7B5]  }
0x168: {  	s10 =	smulhi.u32 $0x78787879, s10;
	[smem:$0x7D4] =	sst s3;
	s3 =	sadd.s32 s6, s5  }
0x169: {  	s14 =	sshra.s32 s2, $0x1F;
	[smem:$0x7D5] =	sst s3;
	s3 =	sadd.s32 s7, s8  }
0x16a: {  	s9 =	smulhi.u32 $0x78787879, s4;
	[smem:$0x7D6] =	sst s3;
	s3 =	sadd.s32 s17, s18  }
0x16b: {  	s10 =	sadd.s32 s16, s10;
	[smem:$0x7D7] =	sst s3;
	s3 =	spop (v2sf)  }
0x16c: {  	[smem:$0x7DF] =	sst s10;
	s10 =	sshrl.u32 s29, $0x1F;
	s4 =	spop (v2sf)  }
0x16d: {  	s8 =	smulhi.u32 $0x78787879, s2;
	s18 =	sld [smem:$0x7B7];
	s5 =	sshra.s32 s4, $0x1F  }
0x16e: {  	(v2sf) =	vpush v5, $0xE;
	s2 =	sadd.s32 s28, s30;
	s30 =	smul.u32 $0x78787879, s5;
	s5 =	sld [smem:$0x7B6]  }
0x16f: {  	(v2sf) =	vpush v5, $0xA;
	v17 =	vmov s10;
	s10 =	sld [smem:$0x7C5]  }
0x170: {  	s28 =	sld [smem:$0x7B8]  }
0x171: {  	s7 =	smulhi.u32 $0x78787879, s0;
	s5 =	sadd.s32 s5, s18;
	s18 =	sld [smem:$0x7B9]  }
0x172: {  	[smem:$0x7DA] =	sst s2  }
0x173: {  	s7 =	sadd.s32 s13, s7;
	s13 =	sld [smem:$0x7C1]  }
0x174: {  	(v2sf) =	vpush v6, $0xF;
	s14 =	smul.u32 $0x78787879, s14;
	s28 =	sadd.s32 s28, s18;
	s18 =	sld [smem:$0x7BB]  }
0x175: {  	[smem:$0x7DD] =	sst s28  }
0x176: {  	s8 =	sadd.s32 s14, s8;
	s28 =	sld [smem:$0x7BA]  }
0x177: {  	[smem:$0x7E0] =	sst s8  }
0x178: {  	[smem:$0x7E1] =	sst s7  }
0x179: {  	s7 =	rddreg [dreg:$0x15];
	s28 =	sadd.s32 s28, s18  }
0x17a: {  	s4 =	smulhi.u32 $0x78787879, s4;
	[smem:$0x7DE] =	sst s28  }
0x17b: {  	s6 =	smulhi.u32 $0x78787879, s1;
	s2 =	sshra.s32 s3, $0x1F;
	s28 =	sld [smem:$0x7BC]  }
0x17c: {  	s17 =	smul.u32 $0x78787879, s2;
	s30 =	sadd.s32 s30, s4;
	s4 =	sld [smem:$0x7C0]  }
0x17d: {  	s1 =	spop (v2sf);
	[smem:$0x7DB] =	sst s5  }
0x17e: {  	s2 =	spop (v2sf);
	s24 =	sadd.s32 s28, s24;
	s28 =	sld [smem:$0x7BD]  }
0x17f: {  	s0 =	sshra.s32 s1, $0x1F;
	s1 =	smulhi.u32 $0x78787879, s1;
	[smem:$0x7D8] =	sst s24  }
0x180: {  	s5 =	smul.u32 $0x78787879, s0;
	s0 =	sshra.s32 s2, $0x1F;
	s24 =	sld [smem:$0x7BE]  }
0x181: {  	s2 =	smulhi.u32 $0x78787879, s2;
	s23 =	sadd.s32 s28, s23;
	s28 =	sld [smem:$0x7BF]  }
0x182: {  	s8 =	sshrl.u32 s7, $0x1F;
	s0 =	smul.u32 $0x78787879, s0;
	[smem:$0x7D9] =	sst s23  }
0x183: {  	s23 =	smulhi.u32 $0x78787879, s3;
	s3 =	sadd.s32 s24, s25;
	s24 =	spop (v2sf)  }
0x184: {  	v16 =	vmov s8;
	s8 =	sld [smem:$0x7C4];
	s25 =	sshra.s32 s24, $0x1F;
	s18 =	smulhi.u32 $0x78787879, s24  }
0x185: {  	s24 =	sadd.s32 s5, s1;
	s1 =	sshra.s32 s4, $0x3;
	s5 =	sshra.s32 s22, $0x3  }
0x186: {  	s22 =	sld [smem:$0x7C3];
	s21 =	sadd.s32 s28, s21;
	s16 =	smul.u32 $0x78787879, s25  }
0x187: {  	s25 =	sadd.s32 s17, s23;
	s23 =	sadd.s32 s0, s2;
	s2 =	rddreg [dreg:$0x13]  }
0x188: {  	s28 =	sadd.s32 s20, s9;
	s20 =	sadd.s32 s12, s6;
	s6 =	rddreg [dreg:$0xf]  }
0x189: {  	v14 =	vmov s1;
	s1 =	sshra.s32 s7, $0x3;
	s7 =	rddreg [dreg:$0xe]  }
0x18a: {  	s12 =	rddreg [dreg:$0x11]  }
0x18b: {  	s14 =	sshrl.u32 s13, $0x1F;
	[smem:$0x7DC] =	sst s21;
	s21 =	sadd.s32 s15, s11  }
0x18c: {  	s0 =	sshrl.u32 s2, $0x1F;
	s4 =	sshrl.u32 s6, $0x1F;
	s9 =	sshra.s32 s7, $0x1F  }
0x18d: {  	v15 =	vmov s5;
	s11 =	sshra.s32 s29, $0x3;
	s5 =	sshrl.u32 s12, $0x1F;
	s6 =	rddreg [dreg:$0xc]  }
0x18e: {  	v18 =	vmov s1;
	s1 =	sshra.s32 s13, $0x3;
	s12 =	sshrl.u32 s7, $0x1F;
	s13 =	sld [smem:$0x7C6]  }
0x18f: {  	vm1 =	vcmask $0x1310;
	s7 =	sld [smem:$0x7C7];
	s17 =	sadd.s32 s16, s18;
	s15 =	sshra.s32 s6, $0x1F  }
0x190: {  	vm0 =	vcmask $0xB08;
	vm2 =	vcmask $0x1B18;
	v9 =	vsel vm1, s4, v9;
	s16 =	sld [smem:$0x7C2];
	s4 =	sshrl.u32 s19, $0x1F;
	s29 =	sshrl.u32 s22, $0x1F  }
0x191: {  	vm4 =	vcmask $0x2320;
	v11 =	vsel vm12, s9, v11;
	v14 =	vsel vm0, s1, v14;
	s1 =	sshra.s32 s22, $0x3;
	s9 =	sshra.s32 s8, $0x3;
	s22 =	sld [smem:$0x7C9]  }
0x192: {  	v12 =	vsel vm1, s0, v12;
	v19 =	vmov s11;
	s11 =	sshrl.u32 s10, $0x1F;
	s19 =	sshrl.u32 s6, $0x1F;
	v11 =	vsel vm13, s9, v11;
	s9 =	sld [smem:$0x7CA]  }
0x193: {  	v10 =	vsel vm0, s14, v10;
	s6 =	sshra.s32 s8, $0x1F;
	v12 =	vsel vm2, s5, v12;
	v17 =	vsel vm0, s11, v17;
	s11 =	sshrl.u32 s8, $0x1F;
	s8 =	sld [smem:$0x7CF]  }
0x194: {  	v9 =	vsel vm2, s4, v9;
	v18 =	vsel vm0, s1, v18;
	s14 =	sshrl.u32 s13, $0x1F;
	s1 =	sshra.s32 s13, $0x3;
	v12 =	vsel vm4, s12, v12;
	s12 =	sld [smem:$0x7CB]  }
0x195: {  	v8 =	vsel vm12, s15, v8;
	s15 =	sshra.s32 s7, $0x3;
	v20 =	vsel vm4, s19, v9;
	s19 =	sld [smem:$0x7CD];
	s18 =	sshrl.u32 s16, $0x1F  }
0x196: {  	v16 =	vsel vm0, s29, v16;
	s2 =	sshra.s32 s16, $0x3;
	s16 =	sld [smem:$0x7C8];
	s29 =	sshrl.u32 s22, $0x1F  }
0x197: {  	v8 =	vsel vm13, s15, v8;
	v10 =	vsel vm1, s14, v10;
	v14 =	vsel vm1, s1, v14;
	s1 =	sshra.s32 s22, $0x3;
	s14 =	sshra.s32 s7, $0x1F;
	s15 =	sld [smem:$0x7CC]  }
0x198: {  	v15 =	vsel vm0, s2, v15;
	s2 =	sshra.s32 s10, $0x3;
	v16 =	vsel vm1, s29, v16;
	s10 =	sshrl.u32 s9, $0x1F;
	s29 =	sld [smem:$0x7CE]  }
0x199: {  	v21 =	vsel vm14, s14, v8;
	s5 =	sshra.s32 s8, $0x3;
	s14 =	sshra.s32 s26, $0x1F;
	s13 =	sshrl.u32 s12, $0x1F  }
0x19a: {  	v18 =	vsel vm1, s1, v18;
	v17 =	vsel vm1, s10, v17;
	s1 =	sshra.s32 s12, $0x3;
	s22 =	sshrl.u32 s19, $0x1F;
	s10 =	sshra.s32 s26, $0x3  }
0x19b: {  	v13 =	vsel vm0, s18, v13;
	v19 =	vsel vm0, s2, v19;
	s18 =	sshrl.u32 s16, $0x1F;
	s2 =	sshra.s32 s16, $0x3;
	s16 =	sshrl.u32 s15, $0x1F  }
0x19c: {  	v44 =	vsel vm2, s1, v14;
	s1 =	sshra.s32 s19, $0x3;
	v46 =	vsel vm2, s22, v16;
	s22 =	sld [smem:$0x7D2];
	v15 =	vsel vm1, s2, v15;
	s2 =	sshra.s32 s9, $0x3  }
0x19d: {  	v42 =	vsel vm2, s13, v10;
	s13 =	sshrl.u32 s26, $0x1F;
	v13 =	vsel vm1, s18, v13;
	v19 =	vsel vm1, s2, v19;
	s2 =	sshra.s32 s15, $0x3;
	s15 =	rddreg [dreg:$0x7]  }
0x19e: {  	v22 =	vsel vm13, s11, v12;
	s18 =	sshrl.u32 s7, $0x1F;
	s11 =	sshrl.u32 s29, $0x1F;
	v43 =	vsel vm2, s16, v13;
	s16 =	rddreg [dreg:$0x8]  }
0x19f: {  	vm3 =	vcmask $0x300;
	v49 =	vsel vm2, s5, v19;
	s0 =	sshrl.u32 s16, $0x1F;
	s5 =	sshra.s32 s16, $0x3;
	s16 =	sld [smem:$0x7D0]  }
0x1a0: {  	vm11 =	vcmask $0x704;
	v48 =	vsel vm2, s1, v18;
	v45 =	vsel vm2, s2, v15;
	s1 =	sshrl.u32 s15, $0x1F;
	s2 =	sshra.s32 s15, $0x3;
	s15 =	sld [smem:$0x7D1]  }
0x1a1: {  	v11 =	vsel vm14, s6, v11;
	v21 =	vsel vm6, s10, v21;
	s6 =	sshra.s32 s29, $0x3;
	s9 =	sshrl.u32 s8, $0x1F;
	v52 =	vsel vm6, s11, v22;
	s11 =	sld [smem:$0x7D3]  }
0x1a2: {  	s12 =	sshra.s32 s29, $0x1F;
	v51 =	vsel vm15, s14, v21;
	s14 =	sld [smem:$0x7D4];
	v23 =	vsel vm6, s6, v11;
	v20 =	vsel vm13, s18, v20;
	s18 =	sshra.s32 s16, $0x1F  }
0x1a3: {  	v47 =	vsel vm2, s9, v17;
	s9 =	sld [smem:$0x7D6];
	v50 =	vsel vm15, s12, v23;
	s26 =	sshra.s32 s22, $0x3;
	s19 =	sshra.s32 s15, $0x1F;
	v54 =	vmov s18  }
0x1a4: {  	v53 =	vsel vm6, s13, v20;
	s29 =	sshra.s32 s22, $0x1F;
	s4 =	sshrl.u32 s22, $0x1F;
	s12 =	sshra.s32 s11, $0x3;
	v55 =	vmov s19;
	v20 =	vsel vm3, s26, v54  }
0x1a5: {  	(v2sf) =	vpush v6, $0xB;
	s22 =	sld [smem:$0x7D5];
	s13 =	sshra.s32 s11, $0x1F;
	s18 =	sshra.s32 s14, $0x3;
	v21 =	vsel vm3, s12, v55;
	v20 =	vsel vm11, s29, v20  }
0x1a6: {  	s19 =	sshra.s32 s14, $0x1F;
	v21 =	vsel vm11, s13, v21;
	vm11 =	vcmask $0xF0C;
	v20 =	vsel vm0, s18, v20  }
0x1a7: {  	s13 =	sshra.s32 s9, $0x3;
	s18 =	sld [smem:$0x7D7];
	v20 =	vsel vm11, s19, v20  }
0x1a8: {  	v7 =	vshll.u32 v7, $0x3;
	s26 =	sshra.s32 s22, $0x3;
	v20 =	vsel vm1, s13, v20;
	s13 =	sld [smem:$0x7DA]  }
0x1a9: {  	v16 =	vsel vm7, s2, v50;
	s2 =	sshrl.u32 s22, $0x1F;
	s29 =	sshra.s32 s22, $0x1F;
	s22 =	sld [smem:$0x7D8];
	v21 =	vsel vm0, s26, v21  }
0x1aa: {  	s8 =	sshrl.u32 s14, $0x1F;
	s6 =	sshrl.u32 s11, $0x1F;
	s14 =	sshra.s32 s9, $0x1F;
	v21 =	vsel vm11, s29, v21;
	vm11 =	vcmask $0x1714  }
0x1ab: {  	s29 =	sld [smem:$0x7D9];
	s19 =	sshra.s32 s18, $0x3;
	v20 =	vsel vm11, s14, v20;
	s14 =	sshra.s32 s13, $0x3  }
0x1ac: {  	(v2sf) =	vpush v6, $0x6;
	s11 =	sshrl.u32 s22, $0x1F;
	s26 =	sshra.s32 s18, $0x1F;
	v21 =	vsel vm1, s19, v21;
	v20 =	vsel vm2, s14, v20;
	s14 =	simm.s32 $0x0  }
0x1ad: {  	v17 =	vsel vm7, s5, v51;
	s5 =	sshra.s32 s22, $0x3;
	s22 =	sld [smem:$0x7DB];
	v21 =	vsel vm11, s26, v21;
	s19 =	sshra.s32 s13, $0x1F;
	vm11 =	vcmask $0x1F1C;
	v24 =	vld.idx.msk [tilespmem:v7+s14+$0x0], $0xffff  }
0x1ae: {  	v25 =	vor.u32 $0x1, v7;
	(v2sf) =	vpush v5, $0xF;
	v20 =	vsel vm11, s19, v20;
	s19 =	sld [smem:$0x7DD]  }
0x1af: {  	v32 =	vor.u32 $0x2, v7;
	(v2sf) =	vpush v5, $0xB  }
0x1b0: {  	v8 =	vcombine.low v43, v42;
	v63 =	vcombine.low v47, v46;
	v18 =	vsel vm7, s1, v52;
	s7 =	sshrl.u32 s18, $0x1F;
	s10 =	sshrl.u32 s29, $0x1F;
	s18 =	sshra.s32 s22, $0x3  }
0x1b1: {  	v19 =	vsel vm7, s0, v53;
	v56 =	vmov s4;
	s0 =	sshra.s32 s29, $0x3;
	s29 =	sld [smem:$0x7DC];
	v21 =	vsel vm2, s18, v21;
	s18 =	sshra.s32 s19, $0x3  }
0x1b2: {  	v9 =	vcombine.low v45, v44;
	v57 =	vmov s6;
	v20 =	vsel vm4, s18, v20;
	s18 =	sld [smem:$0x7DE];
	[tilespmem:s31+$0x680] =	vst v24  }
0x1b3: {  	v12 =	vcombine.low v49, v48;
	v22 =	vnsel vm3, $0x0, v56;
	v23 =	vnsel vm3, $0x0, v57;
	v25 =	vld.idx.msk [tilespmem:v25+s14+$0x0], $0xffff  }
0x1b4: {  	s1 =	sshrl.u32 s9, $0x1F;
	v18 =	vperm.xlane v18, v1;
	v22 =	vsel vm0, s8, v22;
	s8 =	sshra.s32 s28, $0x3;
	v23 =	vsel vm0, s2, v23;
	s2 =	spop (v2sf)  }
0x1b5: {  	v8 =	vperm.xlane v8, v0;
	v16 =	vperm.xlane v16, v1;
	s12 =	sshrl.u32 s13, $0x1F;
	s13 =	sshrl.u32 s28, $0x1F;
	s28 =	sld [smem:$0x7DF]  }
0x1b6: {  	(v2sf) =	vpush v5, $0x6;
	v19 =	vperm.xlane v19, v1;
	v11 =	vperm.xlane v63, v0;
	s6 =	sshrl.u32 s29, $0x1F;
	s4 =	sshra.s32 s29, $0x3;
	s29 =	sshra.s32 s2, $0x1F  }
0x1b7: {  	v37 =	vperm.xlane v17, v1;
	s9 =	sshrl.u32 s3, $0x1F;
	v28 =	vmov s5;
	s5 =	smul.u32 $0x78787879, s29;
	v33 =	vmov s4;
	s4 =	sld [smem:$0x7E0]  }
0x1b8: {  	v9 =	vperm.xlane v9, v0;
	v12 =	vperm.xlane v12, v0;
	v58 =	vmov s9;
	s29 =	sshrl.u32 s28, $0x1F;
	s9 =	sshra.s32 s28, $0x3;
	s28 =	sld [smem:$0x7E1];
	[tilespmem:s31+$0x700] =	vst v25  }
0x1b9: {  	v61 =	vor.u32 $0x3, v7;
	v34 =	vor.u32 $0x4, v7;
	v8 =	vsel vm8, v18, v8;
	v32 =	vld.idx.msk [tilespmem:v32+s14+$0x0], $0xffff  }
0x1ba: {  	v11 =	vsel vm8, v19, v11;
	v9 =	vsel vm8, v16, v9;
	v12 =	vsel vm8, v37, v12  }
0x1bb: {  	v40 =	vor.u32 $0x5, v7;
	v8 =	vadd.s32 v8, v9;
	v43 =	vadd.s32 v11, v12  }
0x1bc: {  	vm10 =	vgt.s32 v6, $0xFFFFFFFF;
	v44 =	vmul.u32 $0xFFFFFFEF, v8;
	v47 =	vmul.u32 $0xFFFFFFEF, v43  }
0x1bd: {  	v49 =	vor.u32 $0x6, v7;
	v22 =	vsel vm1, s1, v22;
	v57 =	vsel vm10, $0x3F800000, v2;
	s3 =	sshra.s32 s3, $0x3  }
0x1be: {  	v31 =	vmov s3;
	v4 =	vadd.s32 v4, v44;
	v3 =	vadd.s32 v3, v47;
	[tilespmem:s31+$0x780] =	vst v32  }
0x1bf: {  	v26 =	vmov s11;
	v23 =	vsel vm1, s7, v23;
	v28 =	vsel vm0, s8, v28;
	v32 =	vld.idx.msk [tilespmem:v61+s14+$0x0], $0xffff  }
0x1c0: {  	s26 =	sshra.s32 s22, $0x1F;
	v27 =	vmov s10;
	s10 =	spop (v2sf);
	v29 =	vmov s0;
	v26 =	vsel vm0, s13, v26  }
0x1c1: {  	s8 =	sshrl.u32 s24, $0x1F;
	s7 =	sshrl.u32 s22, $0x1F;
	s11 =	sshra.s32 s10, $0x1F;
	v22 =	vsel vm2, s12, v22;
	v21 =	vsel vm11, s26, v21;
	vm11 =	vlt.s32 v8, $0xA  }
0x1c2: {  	s0 =	spop (v2sf);
	s12 =	sshrl.u32 s25, $0x1F;
	v23 =	vsel vm2, s7, v23;
	s11 =	smul.u32 $0x78787879, s11;
	v8 =	vnsel vm11, $0xA, v8;
	vm11 =	vlt.s32 v4, $0xE  }
0x1c3: {  	s1 =	spop (v2sf);
	s2 =	smulhi.u32 $0x78787879, s2;
	v26 =	vsel vm1, s12, v26;
	s12 =	sshra.s32 s24, $0x3;
	v4 =	vnsel vm11, $0xE, v4;
	vm11 =	vlt.s32 v3, $0xE  }
0x1c4: {  	v7 =	vor.u32 $0x7, v7;
	s24 =	sshra.s32 s1, $0x1F;
	s1 =	smulhi.u32 $0x78787879, s1;
	v3 =	vnsel vm11, $0xE, v3;
	vm11 =	vlt.s32 v43, $0xA;
	s26 =	sshra.s32 s18, $0x3;
	[tilespmem:s31+$0x800] =	vst v32  }
0x1c5: {  	s5 =	sadd.s32 s5, s2;
	v9 =	vnsel vm11, $0xA, v43;
	v3 =	vcvt.s32.f32 v3;
	s3 =	sshra.s32 s18, $0x1F;
	v21 =	vsel vm4, s26, v21;
	s26 =	sshra.s32 s19, $0x1F;
	v14 =	vld.idx.msk [tilespmem:v34+s14+$0x0], $0xffff  }
0x1c6: {  	v30 =	vmov s6;
	v9 =	vcvt.s32.f32 v9;
	v21 =	vsel vm12, s3, v21;
	s13 =	sshrl.u32 s4, $0x1F;
	s22 =	sshra.s32 s4, $0x3;
	s3 =	spop (v2sf)  }
0x1c7: {  	v3 =	vmul.f32 $7.142857460e-02, v3;
	v20 =	vsel vm12, s26, v20;
	s26 =	sshra.s32 s21, $0x3;
	s4 =	smul.u32 $0x78787879, s24;
	v29 =	vsel vm0, s9, v29;
	s9 =	sshra.s32 s20, $0x3  }
0x1c8: {  	v20 =	vsel vm13, s26, v20;
	v24 =	vsel vm0, s13, v58;
	v59 =	vsel vm0, s22, v31;
	s13 =	sshrl.u32 s30, $0x1F;
	s22 =	sshrl.u32 s19, $0x1F;
	s26 =	smulhi.u32 $0x78787879, s10  }
0x1c9: {  	v4 =	vcvt.s32.f32 v4;
	v9 =	vmul.f32 $1.000000010e-01, v9;
	v27 =	vsel vm0, s29, v27;
	s10 =	sshrl.u32 s18, $0x1F;
	s18 =	sshra.s32 s20, $0x1F;
	s19 =	sshra.s32 s0, $0x1F  }
0x1ca: {  	v3 =	vnsel vm9, $0x0, v3;
	s0 =	smulhi.u32 $0x78787879, s0;
	v21 =	vsel vm13, s9, v21;
	v27 =	vsel vm1, s13, v27;
	s9 =	sshrl.u32 s23, $0x1F;
	s13 =	sshra.s32 s23, $0x3;
	[tilespmem:s31+$0x880] =	vst v14  }
0x1cb: {  	v9 =	vnsel vm9, $0x0, v9;
	v22 =	vsel vm4, s22, v22;
	v24 =	vsel vm1, s8, v24;
	s22 =	sshrl.u32 s17, $0x1F;
	s23 =	sshrl.u32 s5, $0x1F;
	s5 =	sshra.s32 s5, $0x3;
	v48 =	vld.idx.msk [tilespmem:v40+s14+$0x0], $0xffff  }
0x1cc: {  	v23 =	vsel vm4, s10, v23;
	v25 =	vsel vm1, s12, v59;
	s8 =	sshrl.u32 s20, $0x1F;
	s1 =	sadd.s32 s4, s1;
	s29 =	sshrl.u32 s28, $0x1F;
	v21 =	vsel vm14, s18, v21  }
0x1cd: {  	s6 =	sshra.s32 s28, $0x3;
	s28 =	sshra.s32 s25, $0x3;
	s2 =	sadd.s32 s11, s26;
	v26 =	vsel vm2, s22, v26;
	v62 =	vsel vm2, s23, v27;
	v38 =	vsel vm13, s8, v23  }
0x1ce: {  	s25 =	smul.u32 $0x78787879, s19;
	s26 =	sshrl.u32 s21, $0x1F;
	v30 =	vsel vm0, s29, v30;
	v60 =	vsel vm0, s6, v33;
	s29 =	sshra.s32 s30, $0x3;
	v28 =	vsel vm1, s28, v28  }
0x1cf: {  	s11 =	sshrl.u32 s1, $0x1F;
	s1 =	sshra.s32 s1, $0x3;
	s30 =	sshra.s32 s21, $0x1F;
	v33 =	vsel vm13, s26, v22;
	v10 =	vcombine.low v62, v26;
	v29 =	vsel vm1, s29, v29  }
0x1d0: {  	s28 =	sshra.s32 s3, $0x1F;
	v20 =	vsel vm14, s30, v20;
	v30 =	vsel vm1, s9, v30;
	v31 =	vsel vm1, s13, v60;
	s29 =	sshra.s32 s17, $0x3;
	s30 =	sshra.s32 s2, $0x3;
	[tilespmem:s31+$0x900] =	vst v48  }
0x1d1: {  	s3 =	smulhi.u32 $0x78787879, s3;
	s0 =	sadd.s32 s25, s0;
	s17 =	sshrl.u32 s2, $0x1F;
	v35 =	vsel vm2, s29, v28;
	v20 =	vsel vm6, s30, v20;
	v36 =	vsel vm2, s5, v29;
	v11 =	vld.idx.msk [tilespmem:v49+s14+$0x0], $0xffff  }
0x1d2: {  	s7 =	smul.u32 $0x78787879, s28;
	s10 =	sshrl.u32 s0, $0x1F;
	v42 =	vsel vm2, s11, v30;
	s0 =	sshra.s32 s0, $0x3;
	v46 =	vsel vm2, s1, v31;
	v15 =	vsel vm6, s17, v33  }
0x1d3: {  	s20 =	sshrl.u32 s16, $0x1F;
	s12 =	sshra.s32 s2, $0x1F;
	v10 =	vperm.xlane v10, v0;
	v41 =	vsel vm2, s10, v24;
	v45 =	vsel vm2, s0, v25  }
0x1d4: {  	s19 =	sshra.s32 s16, $0x3;
	s3 =	sadd.s32 s7, s3;
	v20 =	vsel vm15, s12, v20;
	v52 =	vcombine.low v36, v35;
	v15 =	vsel vm7, s20, v15  }
0x1d5: {  	s9 =	sshra.s32 s3, $0x3;
	s18 =	sshrl.u32 s3, $0x1F;
	v51 =	vsel vm7, s19, v20;
	v18 =	vcombine.low v42, v41;
	v12 =	vcombine.low v46, v45  }
0x1d6: {  	s13 =	sshra.s32 s3, $0x1F;
	v15 =	vperm.xlane v15, v1;
	v39 =	vsel vm6, s9, v21;
	v50 =	vsel vm6, s18, v38;
	[tilespmem:s31+$0x980] =	vst v11  }
0x1d7: {  	s21 =	sshra.s32 s15, $0x3;
	v17 =	vperm.xlane v51, v1;
	v13 =	vperm.xlane v52, v0;
	v16 =	vsel vm15, s13, v39;
	v11 =	vld [tilespmem:$0x1FFF0]  }
0x1d8: {  	s22 =	sshrl.u32 s15, $0x1F;
	v12 =	vperm.xlane v12, v0;
	v10 =	vsel vm8, v15, v10;
	v16 =	vsel vm7, s21, v16  }
0x1d9: {  	v13 =	vsel vm8, v17, v13;
	v16 =	vperm.xlane v16, v1;
	v14 =	vsel vm7, s22, v50  }
0x1da: {  	v53 =	vperm.xlane v18, v0;
	v10 =	vadd.s32 v10, v13;
	v14 =	vperm.xlane v14, v1;
	v7 =	vld.idx.msk [tilespmem:v7+s14+$0x0], $0xffff;
	s23 =	sld [smem:$0x7E2]  }
0x1db: {  	v54 =	vmul.u32 $0xFFFFFFEF, v10;
	vm9 =	vlt.s32 v10, $0xA;
	v12 =	vsel vm8, v16, v12  }
0x1dc: {  	v10 =	vnsel vm9, $0xA, v10;
	s24 =	rddreg [dreg:$0x14];
	vm0 =	vnez.u8 v11;
	v11 =	vsel vm8, v14, v53  }
0x1dd: {  	v8 =	vcvt.s32.f32 v8;
	v60 =	vcvt.s32.f32 v10;
	s0 =	sor.u32 s23, s24;
	v11 =	vadd.s32 v11, v12  }
0x1de: {  	vm10 =	vmmov vm10;
	v4 =	vmul.f32 $7.142857460e-02, v4;
	s0 =	sor.u32 $0x380, s0;
	v55 =	vmul.u32 $0xFFFFFFEF, v11  }
0x1df: {  	v8 =	vmul.f32 $1.000000010e-01, v8;
	v6 =	vadd.s32 v6, v54;
	v62 =	vmul.f32 $1.000000010e-01, v60;
	[tilespmem:s0+$0x680] =	vst v7  }
0x1e0: {  	vm9 =	vlt.s32 v6, $0xE;
	v4 =	vnsel vm0, $0x0, v4;
	s0 =	rddreg [dreg:$0x6];
	[tilespmem:s31+$0x1780] =	vst v57;
	v56 =	vadd.s32 v5, v55  }
0x1e1: {  	v58 =	vnsel vm9, $0xE, v6;
	v63 =	vnsel vm10, $0x0, v62;
	[tilespmem:s0+$0x1680] =	vst v4;
	vm9 =	vlt.s32 v56, $0xE  }
0x1e2: {  	[tilespmem:s0+$0x1800] =	vst v3;
	v4 =	vcvt.s32.f32 v58;
	v3 =	vnsel vm9, $0xE, v56;
	vm9 =	vlt.s32 v11, $0xA  }
0x1e3: {  	v8 =	vnsel vm0, $0x0, v8;
	[tilespmem:s31+$0x1700] =	vst v63;
	v59 =	vnsel vm9, $0xA, v11;
	v3 =	vcvt.s32.f32 v3  }
0x1e4: {  	[tilespmem:s0+$0x1700] =	vst v8;
	v4 =	vmul.f32 $7.142857460e-02, v4;
	vm9 =	vgt.s32 v5, $0xFFFFFFFF;
	v61 =	vcvt.s32.f32 v59  }
0x1e5: {  	[tilespmem:s0+$0x1880] =	vst v9;
	v5 =	vsel vm9, $0x3F800000, v2;
	v3 =	vmul.f32 $7.142857460e-02, v3  }
0x1e6: {  	v4 =	vnsel vm10, $0x0, v4;
	[tilespmem:s31+$0x1900] =	vst v5;
	v5 =	vmul.f32 $1.000000010e-01, v61  }
0x1e7: {  	[tilespmem:s31+$0x1680] =	vst v4;
	v3 =	vnsel vm9, $0x0, v3  }
0x1e8: {  	[tilespmem:s31+$0x1800] =	vst v3;
	v3 =	vnsel vm9, $0x0, v5  }
0x1e9: {  	[tilespmem:s31+$0x1880] =	vst v3  }
0x1ea: {  	s0 =	sld [smem:$0x7FC]  }
0x1eb: {  	s26 =	simm.s32 $0x20000  }
0x1ec: {  	s25 =	simm.s32 $0x1000;
	s28 =	simm.s32 $0x680;
	s29 =	simm.s32 $0x2  }
0x1ed: {  	[hbm4b:s0+s25] =	stream.strided.scatter [tilespmem:s28], [sflag:$0x2], $0x2000, s26, s25, $0x38;
	[tilespmem:$0x2680] =	vst v63  }
0x1ee: {  	_ =	swait.ge [sflag:s29], $0x2000  }
0x1ef: {  	s30 =	sld [smem:$0x7EC]  }
0x1f0: {  	s31 =	sld [smem:$0x7FD];
	_ =	sdelay $0x1  }
0x1f1: {  	s2 =	sadd.s32 $0x1, s30  }
0x1f2: {  	p0 =	sne.s32 s2, s31  }
.Ltmp1:
0x1f3: {  	_ = 	snop;
	(pc) =	sbr.rel @p0 .LBB2_1-.Ltmp1, $3  }
0x1f4: {  	_ =	sdelay $0x1  }
0x1f5: {  	[sflag:s29] =	ssyncset.done $0x0  }
0x1f6: {  	[sflag:s29] =	ssyncadd.s32 $0xFFFFE000  }
0x1f7: {  	_ =	sfence.sel $0x180000  }
0x1f8: {  	[bflag:$0x0] =	sbarrier.arrive $0xFFFF  }
0x1f9: {  	_ =	strace $0x90000047  }
0x1fa: {  	s0 =	stileid.u32;
	[bflag:$0x2] =	sbarrier.arrive $0xFFFF  }
0x1fb: {  	p0 =	sne.s32 s0, $0x0;
	s0 =	rddreg [dreg:$0x5]  }
0x1fc: {  	s0 =	sadd.s32 @!p0 $0x100000, s0  }
0x1fd: {  	[sflag:s0] =	ssyncadd.tile.s32 @!p0 $0x1;
	_ =	shalt  }
.Lfunc_end2:
_tile_overlayer_lowered:
.L_overlay_start_2:
0x1fe: {  	(tag) =	ssettag $0x2  }
0x1ff: {  	s0 =	rddreg [dreg:$0x0];
	s2 =	stileid.u32  }
0x200: {  	s1 =	rddreg [dreg:$0x1];
	p0 =	sne.s32 s2, $0x0  }
0x201: {  	s3 =	rddreg [dreg:$0x2];
	[bflag:$0x3] =	sbarrier.arrive $0xFFFF;
	s2 =	simm.s32 @!p0 $0x1C02  }
0x202: {  	[timem:s3], [sflag:s2] =	dma.local @!p0 [hbm:s0], s1  }
0x203: {  	s0 =	simm.s32 @!p0 $0x2  }
0x204: {  	_ =	swait.ge @!p0 [sflag:s0], s1  }
0x205: {  	s1 =	ssub.s32 @!p0 $0x0, s1;
	[sflag:s0] =	ssyncset.done @!p0 $0x0  }
0x206: {  	[sflag:s0] =	ssyncadd.s32 @!p0 s1  }
0x207: {  	[bflag:$0x3] =	sbarrier.arrive $0xFFFF  }
0x208: {  	_ =	shalt  }

</sc_bundles>
